<compile_context>
chip_gen: v7x
topology: tpu7x:2x2x1
jax: 0.10.2.dev20260603
libtpu: 0.0.44.dev20260713+nightly
codegen_flags: <defaults>
</compile_context>

<pallas_src>
import numpy as np

import jax
import jax.numpy as jnp
from jax import lax
from jax.experimental import pallas as pl
from jax.experimental.pallas import tpu as pltpu
from jax.experimental.pallas import tpu_sc as plsc

B = 4
NPOINT = 1024
N = 16384
K = 32
L = 16
NV = N // L
NTEC = 32
CPT = (B * NPOINT) // NTEC
TPB = NTEC // B
CAP = N + 2 * L

F32_INF = np.float32(np.inf)
F32_NINF = np.float32(-np.inf)
I32_MAX = np.int32(2**31 - 1)


def _rev(x):
    return lax.rev(x, (0,))


def _lexminmax(ak, av, bk, bv):
    m = (ak < bk) | ((ak == bk) & (av < bv))
    return (jnp.where(m, ak, bk), jnp.where(m, av, bv),
            jnp.where(m, bk, ak), jnp.where(m, bv, av))


def _knn_body(xt, ct, out, xv, yv, zv, cxv, cyv, czv, distv, cand_i,
              outbuf):
    wid = lax.axis_index("s") * 2 + lax.axis_index("c")
    b = wid // TPB
    c0 = (wid % TPB) * CPT

    pltpu.sync_copy(xt.at[pl.ds((b * 3 + 0) * N, N)], xv)
    pltpu.sync_copy(xt.at[pl.ds((b * 3 + 1) * N, N)], yv)
    pltpu.sync_copy(xt.at[pl.ds((b * 3 + 2) * N, N)], zv)
    pltpu.sync_copy(ct.at[pl.ds(((b * 3 + 0) * NPOINT + c0) * L, CPT * L)], cxv)
    pltpu.sync_copy(ct.at[pl.ds(((b * 3 + 1) * NPOINT + c0) * L, CPT * L)], cyv)
    pltpu.sync_copy(ct.at[pl.ds(((b * 3 + 2) * NPOINT + c0) * L, CPT * L)], czv)

    iota = lax.iota(jnp.int32, L)
    inf16 = jnp.full((L,), F32_INF, jnp.float32)
    imax16 = jnp.full((L,), I32_MAX, jnp.int32)

    def center_body(ci, _):
        cx = cxv[pl.ds(ci * L, L)]
        cy = cyv[pl.ds(ci * L, L)]
        cz = czv[pl.ds(ci * L, L)]

        @plsc.parallel_loop(0, NV, step=4, unroll=4,
                            carry=(inf16, inf16, inf16, inf16))
        def p1_loop(j, accs):
            new = []
            for r, a in enumerate(accs):
                off = (j + r) * L
                x = xv[pl.ds(off, L)]
                y = yv[pl.ds(off, L)]
                z = zv[pl.ds(off, L)]
                dx = cx - x
                dy = cy - y
                dz = cz - z
                d = (dx * dx + dy * dy) + dz * dz
                distv[pl.ds(off, L)] = d
                new.append(jnp.minimum(a, d))
            return tuple(new)

        a0, a1, a2, a3 = p1_loop

        s0, s1 = jnp.sort(a0), jnp.sort(a1)
        s2, s3 = jnp.sort(a2), jnp.sort(a3)
        r1, r3 = _rev(s1), _rev(s3)
        p0 = jnp.sort(jnp.minimum(s0, r1))
        p1 = jnp.sort(jnp.maximum(s0, r1))
        q0 = jnp.sort(jnp.minimum(s2, r3))
        q1 = jnp.sort(jnp.maximum(s2, r3))
        lo0 = jnp.minimum(p0, _rev(q1))
        lo1 = jnp.minimum(p1, _rev(q0))
        t = jnp.max(jnp.maximum(lo0, lo1))

        @plsc.parallel_loop(0, NV, unroll=4, carry=jnp.int32(0))
        def p2_loop(i, off):
            o16 = i * L
            d = distv[pl.ds(o16, L)]
            sel = d <= t
            cnt = plsc.all_reduce_population_count(sel)[0]
            plsc.store_compressed(cand_i.at[pl.ds(off, L)], iota + o16,
                                  mask=sel)
            return off + cnt

        c = p2_loop
        nv = (c + L - 1) // L

        def scan_body(v, st):
            a0k, a0v, a1k, a1v = st
            o16 = v * L
            ii = cand_i[pl.ds(o16, L)]
            valid = (iota + o16) < c
            d = plsc.load_gather(distv, [ii], mask=valid)
            d = jnp.where(valid, d, F32_INF)
            ii = jnp.where(valid, ii, I32_MAX)
            sk, sv = plsc.sort_key_val(d, ii)
            mk, mv, _, _ = _lexminmax(a1k, a1v, _rev(sk), _rev(sv))
            mk, mv = plsc.sort_key_val(mk, mv)
            lok, lov, hik, hiv = _lexminmax(a0k, a0v, _rev(mk), _rev(mv))
            a0k, a0v = plsc.sort_key_val(lok, lov)
            a1k, a1v = plsc.sort_key_val(hik, hiv)
            return (a0k, a0v, a1k, a1v)

        _, ov0, _, ov1 = lax.fori_loop(0, nv, scan_body,
                                       (inf16, imax16, inf16, imax16))
        outbuf[pl.ds(ci * K, L)] = ov0
        outbuf[pl.ds(ci * K + L, L)] = ov1
        return 0

    lax.fori_loop(0, CPT, center_body, 0)
    pltpu.sync_copy(outbuf, out.at[pl.ds(wid * (CPT * K), CPT * K)])


@jax.jit
def _knn(xt, ct):
    f = pl.kernel(
        _knn_body,
        out_type=jax.ShapeDtypeStruct((B * NPOINT * K,), jnp.int32),
        mesh=plsc.VectorSubcoreMesh(core_axis_name="c", subcore_axis_name="s"),
        compiler_params=pltpu.CompilerParams(needs_layout_passes=False),
        scratch_types=[
            pltpu.VMEM((N,), jnp.float32),
            pltpu.VMEM((N,), jnp.float32),
            pltpu.VMEM((N,), jnp.float32),
            pltpu.VMEM((CPT * L,), jnp.float32),
            pltpu.VMEM((CPT * L,), jnp.float32),
            pltpu.VMEM((CPT * L,), jnp.float32),
            pltpu.VMEM((N,), jnp.float32),
            pltpu.VMEM((CAP,), jnp.int32),
            pltpu.VMEM((CPT * K,), jnp.int32),
        ],
    )
    return f(xt, ct)


def kernel(xyz, center):
    xt = jnp.transpose(xyz, (0, 2, 1)).reshape(B * 3 * N)
    ct = jnp.repeat(jnp.transpose(center, (0, 2, 1)).reshape(B * 3 * NPOINT), L)
    return _knn(xt, ct).reshape(B, NPOINT, K)

# --- scband reference (transcript-rebuilt; emitter-appended) ---
"""Pipeline reference for scband-knnmodule-41472204210679 (READ-ONLY COPY).

The authoritative reference and input builder live on the scoring server;
editing this copy changes nothing except your own understanding.
"""

import jax, jax.numpy as jnp
import numpy as np

GROUP_SIZE = 32

def setup_inputs(seed: int = 0) -> dict:
    key = jax.random.key(seed)
    k1, k2 = jax.random.split(key)
    xyz = jax.random.normal(k1, (4, 16384, 3), dtype=jnp.float32)
    center = jax.random.normal(k2, (4, 1024, 3), dtype=jnp.float32)
    return {"xyz": xyz, "center": center}

def reference(xyz, center):
    # pairwise squared distances: [B, npoint, N]
    dist_squared = jnp.sum((center[:, :, None, :] - xyz[:, None, :, :]) ** 2, axis=-1)
    # torch.topk(largest=False) -> top_k on negated distances
    neg_dists, idx = jax.lax.top_k(-dist_squared, GROUP_SIZE)
    return idx

if __name__ == "__main__":
    import jax
    _d = setup_inputs()
    print(jax.jit(kernel)(*tuple(_d.values())))

</pallas_src>

<mosaic_0001>
#map = affine_map<(d0, d1) -> (0)>
module attributes {stable_mosaic.version = 14 : i64} {
  func.func @_knn_body(%arg0: i32, %arg1: i32, %arg2: memref<196608xf32, #tpu.memory_space<hbm>>, %arg3: memref<196608xf32, #tpu.memory_space<hbm>>, %arg4: memref<131072xi32, #tpu.memory_space<hbm>>, %arg5: memref<16384xf32, #tpu.memory_space<vmem>>, %arg6: memref<16384xf32, #tpu.memory_space<vmem>>, %arg7: memref<16384xf32, #tpu.memory_space<vmem>>, %arg8: memref<2048xf32, #tpu.memory_space<vmem>>, %arg9: memref<2048xf32, #tpu.memory_space<vmem>>, %arg10: memref<2048xf32, #tpu.memory_space<vmem>>, %arg11: memref<16384xf32, #tpu.memory_space<vmem>>, %arg12: memref<16416xi32, #tpu.memory_space<vmem>>, %arg13: memref<4096xi32, #tpu.memory_space<vmem>>) attributes {dimension_semantics = [#tpu.dimension_semantics<core_parallel>, #tpu.dimension_semantics<subcore_parallel>], iteration_bounds = array<i64: 2, 16>, scalar_prefetch = 0 : i64, scratch_operands = 9 : i64, tpu.core_type = #tpu.core_type<sc_vector_subcore>, window_params = [{transform_indices = #map}, {transform_indices = #map}, {transform_indices = #map}]} {
    %mul3A = arith.constant 2 : i32
    %mul3A_0 = arith.muli %arg1, %mul3A : i32
    %add3A = arith.addi %mul3A_0, %arg0 : i32
    %jit3A = arith.constant 8 : i32
    %div3A = arith.divsi %add3A, %jit3A : i32
    %sign3A = arith.constant 0 : i32
    %sign3A_1 = arith.cmpi sgt, %add3A, %sign3A : i32
    %sign3A_2 = arith.extui %sign3A_1 : i1 to i32
    %sign3A_3 = arith.constant 0 : i32
    %sign3A_4 = arith.cmpi slt, %add3A, %sign3A_3 : i32
    %sign3A_5 = arith.extui %sign3A_4 : i1 to i32
    %sign3A_6 = arith.subi %sign3A_2, %sign3A_5 : i32
    %sign3A_7 = arith.constant 0 : i32
    %sign3A_8 = arith.cmpi sgt, %jit3A, %sign3A_7 : i32
    %sign3A_9 = arith.extui %sign3A_8 : i1 to i32
    %sign3A_10 = arith.constant 0 : i32
    %sign3A_11 = arith.cmpi slt, %jit3A, %sign3A_10 : i32
    %sign3A_12 = arith.extui %sign3A_11 : i1 to i32
    %sign3A_13 = arith.subi %sign3A_9, %sign3A_12 : i32
    %ne3A = arith.cmpi ne, %sign3A_6, %sign3A_13 : i32
    %rem3A = arith.remsi %add3A, %jit3A : i32
    %ne3A_14 = arith.constant 0 : i32
    %ne3A_15 = arith.cmpi ne, %rem3A, %ne3A_14 : i32
    %and3A = arith.andi %ne3A, %ne3A_15 : i1
    %sub3A = arith.constant 1 : i32
    %sub3A_16 = arith.subi %div3A, %sub3A : i32
    %select_n3A = arith.select %and3A, %sub3A_16, %div3A : i32
    %jit3A_17 = arith.constant 8 : i32
    %eq3A = arith.constant 0 : i32
    %eq3A_18 = arith.cmpi eq, %jit3A_17, %eq3A : i32
    %jit3A_19 = arith.constant 1 : i32
    %select_n3A_20 = arith.select %eq3A_18, %jit3A_19, %jit3A_17 : i32
    %rem3A_21 = arith.remsi %add3A, %select_n3A_20 : i32
    %ne3A_22 = arith.constant 0 : i32
    %ne3A_23 = arith.cmpi ne, %rem3A_21, %ne3A_22 : i32
    %lt3A = arith.constant 0 : i32
    %lt3A_24 = arith.cmpi slt, %rem3A_21, %lt3A : i32
    %lt3A_25 = arith.constant 0 : i32
    %lt3A_26 = arith.cmpi slt, %select_n3A_20, %lt3A_25 : i32
    %ne3A_27 = arith.xori %lt3A_24, %lt3A_26 : i1
    %and3A_28 = arith.andi %ne3A_27, %ne3A_23 : i1
    %add3A_29 = arith.addi %rem3A_21, %select_n3A_20 : i32
    %select_n3A_30 = arith.select %and3A_28, %add3A_29, %rem3A_21 : i32
    %mul3A_31 = arith.constant 128 : i32
    %mul3A_32 = arith.muli %select_n3A_30, %mul3A_31 : i32
    %mul3A_33 = arith.constant 3 : i32
    %mul3A_34 = arith.muli %select_n3A, %mul3A_33 : i32
    %add3A_35 = arith.constant 0 : i32
    %add3A_36 = arith.addi %mul3A_34, %add3A_35 : i32
    %mul3A_37 = arith.constant 16384 : i32
    %mul3A_38 = arith.muli %add3A_36, %mul3A_37 : i32
    "tpu.region"() ({
      %run_scoped3A = tpu.sem_alloc : memref<!tpu.dma_semaphore, #tpu.memory_space<semaphore_mem>>
      %dma_start3A = tpu.memref_slice %arg2[%mul3A_38] : memref<196608xf32, #tpu.memory_space<hbm>> -> memref<16384xf32, #tpu.memory_space<hbm>>
      %dma_start3A_89 = tpu.memref_slice %arg2[%mul3A_38] : memref<196608xf32, #tpu.memory_space<hbm>> -> memref<16384xf32, #tpu.memory_space<hbm>>
      tpu.enqueue_dma source(%dma_start3A_89 : memref<16384xf32, #tpu.memory_space<hbm>>) target(%arg5 : memref<16384xf32, #tpu.memory_space<vmem>>) target_semaphore(%run_scoped3A : memref<!tpu.dma_semaphore, #tpu.memory_space<semaphore_mem>>)
      %dma_wait3A = tpu.memref_slice %arg2[%mul3A_38] : memref<196608xf32, #tpu.memory_space<hbm>> -> memref<16384xf32, #tpu.memory_space<hbm>>
      %dma_wait3A_90 = tpu.memref_slice %arg2[%mul3A_38] : memref<196608xf32, #tpu.memory_space<hbm>> -> memref<16384xf32, #tpu.memory_space<hbm>>
      tpu.wait_dma2 semaphore(%run_scoped3A : memref<!tpu.dma_semaphore, #tpu.memory_space<semaphore_mem>>) src(%dma_wait3A_90 : memref<16384xf32, #tpu.memory_space<hbm>>) dst(%arg5 : memref<16384xf32, #tpu.memory_space<vmem>>)
      tpu.yield
    }) : () -> ()
    %mul3A_39 = arith.constant 3 : i32
    %mul3A_40 = arith.muli %select_n3A, %mul3A_39 : i32
    %add3A_41 = arith.constant 1 : i32
    %add3A_42 = arith.addi %mul3A_40, %add3A_41 : i32
    %mul3A_43 = arith.constant 16384 : i32
    %mul3A_44 = arith.muli %add3A_42, %mul3A_43 : i32
    "tpu.region"() ({
      %run_scoped3A = tpu.sem_alloc : memref<!tpu.dma_semaphore, #tpu.memory_space<semaphore_mem>>
      %dma_start3A = tpu.memref_slice %arg2[%mul3A_44] : memref<196608xf32, #tpu.memory_space<hbm>> -> memref<16384xf32, #tpu.memory_space<hbm>>
      %dma_start3A_89 = tpu.memref_slice %arg2[%mul3A_44] : memref<196608xf32, #tpu.memory_space<hbm>> -> memref<16384xf32, #tpu.memory_space<hbm>>
      tpu.enqueue_dma source(%dma_start3A_89 : memref<16384xf32, #tpu.memory_space<hbm>>) target(%arg6 : memref<16384xf32, #tpu.memory_space<vmem>>) target_semaphore(%run_scoped3A : memref<!tpu.dma_semaphore, #tpu.memory_space<semaphore_mem>>)
      %dma_wait3A = tpu.memref_slice %arg2[%mul3A_44] : memref<196608xf32, #tpu.memory_space<hbm>> -> memref<16384xf32, #tpu.memory_space<hbm>>
      %dma_wait3A_90 = tpu.memref_slice %arg2[%mul3A_44] : memref<196608xf32, #tpu.memory_space<hbm>> -> memref<16384xf32, #tpu.memory_space<hbm>>
      tpu.wait_dma2 semaphore(%run_scoped3A : memref<!tpu.dma_semaphore, #tpu.memory_space<semaphore_mem>>) src(%dma_wait3A_90 : memref<16384xf32, #tpu.memory_space<hbm>>) dst(%arg6 : memref<16384xf32, #tpu.memory_space<vmem>>)
      tpu.yield
    }) : () -> ()
    %mul3A_45 = arith.constant 3 : i32
    %mul3A_46 = arith.muli %select_n3A, %mul3A_45 : i32
    %add3A_47 = arith.constant 2 : i32
    %add3A_48 = arith.addi %mul3A_46, %add3A_47 : i32
    %mul3A_49 = arith.constant 16384 : i32
    %mul3A_50 = arith.muli %add3A_48, %mul3A_49 : i32
    "tpu.region"() ({
      %run_scoped3A = tpu.sem_alloc : memref<!tpu.dma_semaphore, #tpu.memory_space<semaphore_mem>>
      %dma_start3A = tpu.memref_slice %arg2[%mul3A_50] : memref<196608xf32, #tpu.memory_space<hbm>> -> memref<16384xf32, #tpu.memory_space<hbm>>
      %dma_start3A_89 = tpu.memref_slice %arg2[%mul3A_50] : memref<196608xf32, #tpu.memory_space<hbm>> -> memref<16384xf32, #tpu.memory_space<hbm>>
      tpu.enqueue_dma source(%dma_start3A_89 : memref<16384xf32, #tpu.memory_space<hbm>>) target(%arg7 : memref<16384xf32, #tpu.memory_space<vmem>>) target_semaphore(%run_scoped3A : memref<!tpu.dma_semaphore, #tpu.memory_space<semaphore_mem>>)
      %dma_wait3A = tpu.memref_slice %arg2[%mul3A_50] : memref<196608xf32, #tpu.memory_space<hbm>> -> memref<16384xf32, #tpu.memory_space<hbm>>
      %dma_wait3A_90 = tpu.memref_slice %arg2[%mul3A_50] : memref<196608xf32, #tpu.memory_space<hbm>> -> memref<16384xf32, #tpu.memory_space<hbm>>
      tpu.wait_dma2 semaphore(%run_scoped3A : memref<!tpu.dma_semaphore, #tpu.memory_space<semaphore_mem>>) src(%dma_wait3A_90 : memref<16384xf32, #tpu.memory_space<hbm>>) dst(%arg7 : memref<16384xf32, #tpu.memory_space<vmem>>)
      tpu.yield
    }) : () -> ()
    %mul3A_51 = arith.constant 3 : i32
    %mul3A_52 = arith.muli %select_n3A, %mul3A_51 : i32
    %add3A_53 = arith.constant 0 : i32
    %add3A_54 = arith.addi %mul3A_52, %add3A_53 : i32
    %mul3A_55 = arith.constant 1024 : i32
    %mul3A_56 = arith.muli %add3A_54, %mul3A_55 : i32
    %add3A_57 = arith.addi %mul3A_56, %mul3A_32 : i32
    %mul3A_58 = arith.constant 16 : i32
    %mul3A_59 = arith.muli %add3A_57, %mul3A_58 : i32
    "tpu.region"() ({
      %run_scoped3A = tpu.sem_alloc : memref<!tpu.dma_semaphore, #tpu.memory_space<semaphore_mem>>
      %dma_start3A = tpu.memref_slice %arg3[%mul3A_59] : memref<196608xf32, #tpu.memory_space<hbm>> -> memref<2048xf32, #tpu.memory_space<hbm>>
      %dma_start3A_89 = tpu.memref_slice %arg3[%mul3A_59] : memref<196608xf32, #tpu.memory_space<hbm>> -> memref<2048xf32, #tpu.memory_space<hbm>>
      tpu.enqueue_dma source(%dma_start3A_89 : memref<2048xf32, #tpu.memory_space<hbm>>) target(%arg8 : memref<2048xf32, #tpu.memory_space<vmem>>) target_semaphore(%run_scoped3A : memref<!tpu.dma_semaphore, #tpu.memory_space<semaphore_mem>>)
      %dma_wait3A = tpu.memref_slice %arg3[%mul3A_59] : memref<196608xf32, #tpu.memory_space<hbm>> -> memref<2048xf32, #tpu.memory_space<hbm>>
      %dma_wait3A_90 = tpu.memref_slice %arg3[%mul3A_59] : memref<196608xf32, #tpu.memory_space<hbm>> -> memref<2048xf32, #tpu.memory_space<hbm>>
      tpu.wait_dma2 semaphore(%run_scoped3A : memref<!tpu.dma_semaphore, #tpu.memory_space<semaphore_mem>>) src(%dma_wait3A_90 : memref<2048xf32, #tpu.memory_space<hbm>>) dst(%arg8 : memref<2048xf32, #tpu.memory_space<vmem>>)
      tpu.yield
    }) : () -> ()
    %mul3A_60 = arith.constant 3 : i32
    %mul3A_61 = arith.muli %select_n3A, %mul3A_60 : i32
    %add3A_62 = arith.constant 1 : i32
    %add3A_63 = arith.addi %mul3A_61, %add3A_62 : i32
    %mul3A_64 = arith.constant 1024 : i32
    %mul3A_65 = arith.muli %add3A_63, %mul3A_64 : i32
    %add3A_66 = arith.addi %mul3A_65, %mul3A_32 : i32
    %mul3A_67 = arith.constant 16 : i32
    %mul3A_68 = arith.muli %add3A_66, %mul3A_67 : i32
    "tpu.region"() ({
      %run_scoped3A = tpu.sem_alloc : memref<!tpu.dma_semaphore, #tpu.memory_space<semaphore_mem>>
      %dma_start3A = tpu.memref_slice %arg3[%mul3A_68] : memref<196608xf32, #tpu.memory_space<hbm>> -> memref<2048xf32, #tpu.memory_space<hbm>>
      %dma_start3A_89 = tpu.memref_slice %arg3[%mul3A_68] : memref<196608xf32, #tpu.memory_space<hbm>> -> memref<2048xf32, #tpu.memory_space<hbm>>
      tpu.enqueue_dma source(%dma_start3A_89 : memref<2048xf32, #tpu.memory_space<hbm>>) target(%arg9 : memref<2048xf32, #tpu.memory_space<vmem>>) target_semaphore(%run_scoped3A : memref<!tpu.dma_semaphore, #tpu.memory_space<semaphore_mem>>)
      %dma_wait3A = tpu.memref_slice %arg3[%mul3A_68] : memref<196608xf32, #tpu.memory_space<hbm>> -> memref<2048xf32, #tpu.memory_space<hbm>>
      %dma_wait3A_90 = tpu.memref_slice %arg3[%mul3A_68] : memref<196608xf32, #tpu.memory_space<hbm>> -> memref<2048xf32, #tpu.memory_space<hbm>>
      tpu.wait_dma2 semaphore(%run_scoped3A : memref<!tpu.dma_semaphore, #tpu.memory_space<semaphore_mem>>) src(%dma_wait3A_90 : memref<2048xf32, #tpu.memory_space<hbm>>) dst(%arg9 : memref<2048xf32, #tpu.memory_space<vmem>>)
      tpu.yield
    }) : () -> ()
    %mul3A_69 = arith.constant 3 : i32
    %mul3A_70 = arith.muli %select_n3A, %mul3A_69 : i32
    %add3A_71 = arith.constant 2 : i32
    %add3A_72 = arith.addi %mul3A_70, %add3A_71 : i32
    %mul3A_73 = arith.constant 1024 : i32
    %mul3A_74 = arith.muli %add3A_72, %mul3A_73 : i32
    %add3A_75 = arith.addi %mul3A_74, %mul3A_32 : i32
    %mul3A_76 = arith.constant 16 : i32
    %mul3A_77 = arith.muli %add3A_75, %mul3A_76 : i32
    "tpu.region"() ({
      %run_scoped3A = tpu.sem_alloc : memref<!tpu.dma_semaphore, #tpu.memory_space<semaphore_mem>>
      %dma_start3A = tpu.memref_slice %arg3[%mul3A_77] : memref<196608xf32, #tpu.memory_space<hbm>> -> memref<2048xf32, #tpu.memory_space<hbm>>
      %dma_start3A_89 = tpu.memref_slice %arg3[%mul3A_77] : memref<196608xf32, #tpu.memory_space<hbm>> -> memref<2048xf32, #tpu.memory_space<hbm>>
      tpu.enqueue_dma source(%dma_start3A_89 : memref<2048xf32, #tpu.memory_space<hbm>>) target(%arg10 : memref<2048xf32, #tpu.memory_space<vmem>>) target_semaphore(%run_scoped3A : memref<!tpu.dma_semaphore, #tpu.memory_space<semaphore_mem>>)
      %dma_wait3A = tpu.memref_slice %arg3[%mul3A_77] : memref<196608xf32, #tpu.memory_space<hbm>> -> memref<2048xf32, #tpu.memory_space<hbm>>
      %dma_wait3A_90 = tpu.memref_slice %arg3[%mul3A_77] : memref<196608xf32, #tpu.memory_space<hbm>> -> memref<2048xf32, #tpu.memory_space<hbm>>
      tpu.wait_dma2 semaphore(%run_scoped3A : memref<!tpu.dma_semaphore, #tpu.memory_space<semaphore_mem>>) src(%dma_wait3A_90 : memref<2048xf32, #tpu.memory_space<hbm>>) dst(%arg10 : memref<2048xf32, #tpu.memory_space<vmem>>)
      tpu.yield
    }) : () -> ()
    %iota3A = tpu.iota {dimensions = array<i32: 0>} : vector<16xi32>
    %broadcast_in_dim3A = arith.constant 0x7F800000 : f32
    %broadcast_in_dim3A_78 = vector.broadcast %broadcast_in_dim3A : f32 to vector<16xf32>
    %broadcast_in_dim3A_79 = arith.constant 2147483647 : i32
    %broadcast_in_dim3A_80 = vector.broadcast %broadcast_in_dim3A_79 : i32 to vector<16xi32>
    %scan3A = arith.constant 0 : i32
    %scan3A_81 = arith.constant 0 : i32
    %scan3A_82 = arith.constant 128 : i32
    %scan3A_83 = arith.addi %scan3A_81, %scan3A_82 : i32
    %scan3A_84 = arith.constant 1 : i32
    %scan3A_85 = scf.for %scan3A_89 = %scan3A_81 to %scan3A_83 step %scan3A_84 iter_args(%scan3A_90 = %scan3A) -> (i32)  : i32 {
      %mul3A_91 = arith.constant 16 : i32
      %mul3A_92 = arith.muli %scan3A_89, %mul3A_91 : i32
      %get3A = arith.index_cast %mul3A_92 : i32 to index
      %get3A_93 = tpu.vector_load %arg8[%get3A] {strides = array<i32>} : memref<2048xf32, #tpu.memory_space<vmem>>, vector<16xf32>,
      %mul3A_94 = arith.constant 16 : i32
      %mul3A_95 = arith.muli %scan3A_89, %mul3A_94 : i32
      %get3A_96 = arith.index_cast %mul3A_95 : i32 to index
      %get3A_97 = tpu.vector_load %arg9[%get3A_96] {strides = array<i32>} : memref<2048xf32, #tpu.memory_space<vmem>>, vector<16xf32>,
      %mul3A_98 = arith.constant 16 : i32
      %mul3A_99 = arith.muli %scan3A_89, %mul3A_98 : i32
      %get3A_100 = arith.index_cast %mul3A_99 : i32 to index
      %get3A_101 = tpu.vector_load %arg10[%get3A_100] {strides = array<i32>} : memref<2048xf32, #tpu.memory_space<vmem>>, vector<16xf32>,
      %parallel_loop3A = arith.constant 0 : i32
      %parallel_loop3A_102 = arith.constant 1024 : i32
      %parallel_loop3A_103 = arith.constant 4 : i32
      %parallel_loop3A_104:4 = scf.for %parallel_loop3A_216 = %parallel_loop3A to %parallel_loop3A_102 step %parallel_loop3A_103 iter_args(%parallel_loop3A_217 = %broadcast_in_dim3A_78, %parallel_loop3A_218 = %broadcast_in_dim3A_78, %parallel_loop3A_219 = %broadcast_in_dim3A_78, %parallel_loop3A_220 = %broadcast_in_dim3A_78) -> (vector<16xf32>, vector<16xf32>, vector<16xf32>, vector<16xf32>)  : i32 {
        %parallel_loop3A_221 = arith.constant 0 : i32
        %parallel_loop3A_222 = arith.addi %parallel_loop3A_216, %parallel_loop3A_221 : i32
        %parallel_loop3A_223 = arith.constant 16 : i32
        %parallel_loop3A_224 = arith.muli %parallel_loop3A_222, %parallel_loop3A_223 : i32
        %parallel_loop3A_225 = arith.index_cast %parallel_loop3A_224 : i32 to index
        %parallel_loop3A_226 = tpu.vector_load %arg5[%parallel_loop3A_225] {strides = array<i32>} : memref<16384xf32, #tpu.memory_space<vmem>>, vector<16xf32>,
        %parallel_loop3A_227 = arith.index_cast %parallel_loop3A_224 : i32 to index
        %parallel_loop3A_228 = tpu.vector_load %arg6[%parallel_loop3A_227] {strides = array<i32>} : memref<16384xf32, #tpu.memory_space<vmem>>, vector<16xf32>,
        %parallel_loop3A_229 = arith.index_cast %parallel_loop3A_224 : i32 to index
        %parallel_loop3A_230 = tpu.vector_load %arg7[%parallel_loop3A_229] {strides = array<i32>} : memref<16384xf32, #tpu.memory_space<vmem>>, vector<16xf32>,
        %parallel_loop3A_231 = arith.subf %get3A_93, %parallel_loop3A_226 : vector<16xf32>
        %parallel_loop3A_232 = arith.subf %get3A_97, %parallel_loop3A_228 : vector<16xf32>
        %parallel_loop3A_233 = arith.subf %get3A_101, %parallel_loop3A_230 : vector<16xf32>
        %parallel_loop3A_234 = arith.mulf %parallel_loop3A_231, %parallel_loop3A_231 : vector<16xf32>
        %parallel_loop3A_235 = arith.mulf %parallel_loop3A_232, %parallel_loop3A_232 : vector<16xf32>
        %parallel_loop3A_236 = arith.addf %parallel_loop3A_234, %parallel_loop3A_235 : vector<16xf32>
        %parallel_loop3A_237 = arith.mulf %parallel_loop3A_233, %parallel_loop3A_233 : vector<16xf32>
        %parallel_loop3A_238 = arith.addf %parallel_loop3A_236, %parallel_loop3A_237 : vector<16xf32>
        %parallel_loop3A_239 = arith.index_cast %parallel_loop3A_224 : i32 to index
        %parallel_loop3A_240 = tpu.vector_load %arg11[%parallel_loop3A_239] {strides = array<i32>} : memref<16384xf32, #tpu.memory_space<vmem>>, vector<16xf32>,
        tpu.vector_store %arg11[%parallel_loop3A_239], %parallel_loop3A_238 {strides = array<i32>} : memref<16384xf32, #tpu.memory_space<vmem>>, vector<16xf32>,
        %parallel_loop3A_241 = arith.minimumf %parallel_loop3A_217, %parallel_loop3A_238 : vector<16xf32>
        %parallel_loop3A_242 = arith.constant 1 : i32
        %parallel_loop3A_243 = arith.addi %parallel_loop3A_216, %parallel_loop3A_242 : i32
        %parallel_loop3A_244 = arith.constant 16 : i32
        %parallel_loop3A_245 = arith.muli %parallel_loop3A_243, %parallel_loop3A_244 : i32
        %parallel_loop3A_246 = arith.index_cast %parallel_loop3A_245 : i32 to index
        %parallel_loop3A_247 = tpu.vector_load %arg5[%parallel_loop3A_246] {strides = array<i32>} : memref<16384xf32, #tpu.memory_space<vmem>>, vector<16xf32>,
        %parallel_loop3A_248 = arith.index_cast %parallel_loop3A_245 : i32 to index
        %parallel_loop3A_249 = tpu.vector_load %arg6[%parallel_loop3A_248] {strides = array<i32>} : memref<16384xf32, #tpu.memory_space<vmem>>, vector<16xf32>,
        %parallel_loop3A_250 = arith.index_cast %parallel_loop3A_245 : i32 to index
        %parallel_loop3A_251 = tpu.vector_load %arg7[%parallel_loop3A_250] {strides = array<i32>} : memref<16384xf32, #tpu.memory_space<vmem>>, vector<16xf32>,
        %parallel_loop3A_252 = arith.subf %get3A_93, %parallel_loop3A_247 : vector<16xf32>
        %parallel_loop3A_253 = arith.subf %get3A_97, %parallel_loop3A_249 : vector<16xf32>
        %parallel_loop3A_254 = arith.subf %get3A_101, %parallel_loop3A_251 : vector<16xf32>
        %parallel_loop3A_255 = arith.mulf %parallel_loop3A_252, %parallel_loop3A_252 : vector<16xf32>
        %parallel_loop3A_256 = arith.mulf %parallel_loop3A_253, %parallel_loop3A_253 : vector<16xf32>
        %parallel_loop3A_257 = arith.addf %parallel_loop3A_255, %parallel_loop3A_256 : vector<16xf32>
        %parallel_loop3A_258 = arith.mulf %parallel_loop3A_254, %parallel_loop3A_254 : vector<16xf32>
        %parallel_loop3A_259 = arith.addf %parallel_loop3A_257, %parallel_loop3A_258 : vector<16xf32>
        %parallel_loop3A_260 = arith.index_cast %parallel_loop3A_245 : i32 to index
        %parallel_loop3A_261 = tpu.vector_load %arg11[%parallel_loop3A_260] {strides = array<i32>} : memref<16384xf32, #tpu.memory_space<vmem>>, vector<16xf32>,
        tpu.vector_store %arg11[%parallel_loop3A_260], %parallel_loop3A_259 {strides = array<i32>} : memref<16384xf32, #tpu.memory_space<vmem>>, vector<16xf32>,
        %parallel_loop3A_262 = arith.minimumf %parallel_loop3A_218, %parallel_loop3A_259 : vector<16xf32>
        %parallel_loop3A_263 = arith.constant 2 : i32
        %parallel_loop3A_264 = arith.addi %parallel_loop3A_216, %parallel_loop3A_263 : i32
        %parallel_loop3A_265 = arith.constant 16 : i32
        %parallel_loop3A_266 = arith.muli %parallel_loop3A_264, %parallel_loop3A_265 : i32
        %parallel_loop3A_267 = arith.index_cast %parallel_loop3A_266 : i32 to index
        %parallel_loop3A_268 = tpu.vector_load %arg5[%parallel_loop3A_267] {strides = array<i32>} : memref<16384xf32, #tpu.memory_space<vmem>>, vector<16xf32>,
        %parallel_loop3A_269 = arith.index_cast %parallel_loop3A_266 : i32 to index
        %parallel_loop3A_270 = tpu.vector_load %arg6[%parallel_loop3A_269] {strides = array<i32>} : memref<16384xf32, #tpu.memory_space<vmem>>, vector<16xf32>,
        %parallel_loop3A_271 = arith.index_cast %parallel_loop3A_266 : i32 to index
        %parallel_loop3A_272 = tpu.vector_load %arg7[%parallel_loop3A_271] {strides = array<i32>} : memref<16384xf32, #tpu.memory_space<vmem>>, vector<16xf32>,
        %parallel_loop3A_273 = arith.subf %get3A_93, %parallel_loop3A_268 : vector<16xf32>
        %parallel_loop3A_274 = arith.subf %get3A_97, %parallel_loop3A_270 : vector<16xf32>
        %parallel_loop3A_275 = arith.subf %get3A_101, %parallel_loop3A_272 : vector<16xf32>
        %parallel_loop3A_276 = arith.mulf %parallel_loop3A_273, %parallel_loop3A_273 : vector<16xf32>
        %parallel_loop3A_277 = arith.mulf %parallel_loop3A_274, %parallel_loop3A_274 : vector<16xf32>
        %parallel_loop3A_278 = arith.addf %parallel_loop3A_276, %parallel_loop3A_277 : vector<16xf32>
        %parallel_loop3A_279 = arith.mulf %parallel_loop3A_275, %parallel_loop3A_275 : vector<16xf32>
        %parallel_loop3A_280 = arith.addf %parallel_loop3A_278, %parallel_loop3A_279 : vector<16xf32>
        %parallel_loop3A_281 = arith.index_cast %parallel_loop3A_266 : i32 to index
        %parallel_loop3A_282 = tpu.vector_load %arg11[%parallel_loop3A_281] {strides = array<i32>} : memref<16384xf32, #tpu.memory_space<vmem>>, vector<16xf32>,
        tpu.vector_store %arg11[%parallel_loop3A_281], %parallel_loop3A_280 {strides = array<i32>} : memref<16384xf32, #tpu.memory_space<vmem>>, vector<16xf32>,
        %parallel_loop3A_283 = arith.minimumf %parallel_loop3A_219, %parallel_loop3A_280 : vector<16xf32>
        %parallel_loop3A_284 = arith.constant 3 : i32
        %parallel_loop3A_285 = arith.addi %parallel_loop3A_216, %parallel_loop3A_284 : i32
        %parallel_loop3A_286 = arith.constant 16 : i32
        %parallel_loop3A_287 = arith.muli %parallel_loop3A_285, %parallel_loop3A_286 : i32
        %parallel_loop3A_288 = arith.index_cast %parallel_loop3A_287 : i32 to index
        %parallel_loop3A_289 = tpu.vector_load %arg5[%parallel_loop3A_288] {strides = array<i32>} : memref<16384xf32, #tpu.memory_space<vmem>>, vector<16xf32>,
        %parallel_loop3A_290 = arith.index_cast %parallel_loop3A_287 : i32 to index
        %parallel_loop3A_291 = tpu.vector_load %arg6[%parallel_loop3A_290] {strides = array<i32>} : memref<16384xf32, #tpu.memory_space<vmem>>, vector<16xf32>,
        %parallel_loop3A_292 = arith.index_cast %parallel_loop3A_287 : i32 to index
        %parallel_loop3A_293 = tpu.vector_load %arg7[%parallel_loop3A_292] {strides = array<i32>} : memref<16384xf32, #tpu.memory_space<vmem>>, vector<16xf32>,
        %parallel_loop3A_294 = arith.subf %get3A_93, %parallel_loop3A_289 : vector<16xf32>
        %parallel_loop3A_295 = arith.subf %get3A_97, %parallel_loop3A_291 : vector<16xf32>
        %parallel_loop3A_296 = arith.subf %get3A_101, %parallel_loop3A_293 : vector<16xf32>
        %parallel_loop3A_297 = arith.mulf %parallel_loop3A_294, %parallel_loop3A_294 : vector<16xf32>
        %parallel_loop3A_298 = arith.mulf %parallel_loop3A_295, %parallel_loop3A_295 : vector<16xf32>
        %parallel_loop3A_299 = arith.addf %parallel_loop3A_297, %parallel_loop3A_298 : vector<16xf32>
        %parallel_loop3A_300 = arith.mulf %parallel_loop3A_296, %parallel_loop3A_296 : vector<16xf32>
        %parallel_loop3A_301 = arith.addf %parallel_loop3A_299, %parallel_loop3A_300 : vector<16xf32>
        %parallel_loop3A_302 = arith.index_cast %parallel_loop3A_287 : i32 to index
        %parallel_loop3A_303 = tpu.vector_load %arg11[%parallel_loop3A_302] {strides = array<i32>} : memref<16384xf32, #tpu.memory_space<vmem>>, vector<16xf32>,
        tpu.vector_store %arg11[%parallel_loop3A_302], %parallel_loop3A_301 {strides = array<i32>} : memref<16384xf32, #tpu.memory_space<vmem>>, vector<16xf32>,
        %parallel_loop3A_304 = arith.minimumf %parallel_loop3A_220, %parallel_loop3A_301 : vector<16xf32>
        scf.yield %parallel_loop3A_241, %parallel_loop3A_262, %parallel_loop3A_283, %parallel_loop3A_304 : vector<16xf32>, vector<16xf32>, vector<16xf32>, vector<16xf32>
      } {sc.loop_unroll_factor = 4 : i64, sc.parallel_access}
      %sort3A = arith.constant dense<true> : vector<16xi1>
      %sort3A_105, %sort3A_106, %sort3A_107 = tpu.sort %parallel_loop3A_104#0, %parallel_loop3A_104#0 masked %sort3A : (vector<16xf32>, vector<16xf32>, vector<16xi1>) -> (vector<16xi1>, vector<16xf32>, vector<16xf32>)
      %sort3A_108 = arith.constant dense<true> : vector<16xi1>
      %sort3A_109, %sort3A_110, %sort3A_111 = tpu.sort %parallel_loop3A_104#1, %parallel_loop3A_104#1 masked %sort3A_108 : (vector<16xf32>, vector<16xf32>, vector<16xi1>) -> (vector<16xi1>, vector<16xf32>, vector<16xf32>)
      %sort3A_112 = arith.constant dense<true> : vector<16xi1>
      %sort3A_113, %sort3A_114, %sort3A_115 = tpu.sort %parallel_loop3A_104#2, %parallel_loop3A_104#2 masked %sort3A_112 : (vector<16xf32>, vector<16xf32>, vector<16xi1>) -> (vector<16xi1>, vector<16xf32>, vector<16xf32>)
      %sort3A_116 = arith.constant dense<true> : vector<16xi1>
      %sort3A_117, %sort3A_118, %sort3A_119 = tpu.sort %parallel_loop3A_104#3, %parallel_loop3A_104#3 masked %sort3A_116 : (vector<16xf32>, vector<16xf32>, vector<16xi1>) -> (vector<16xi1>, vector<16xf32>, vector<16xf32>)
      %rev3A = arith.constant 15 : i32
      %rev3A_120 = vector.broadcast %rev3A : i32 to vector<16xi32>
      %rev3A_121 = tpu.iota {dimensions = array<i32: 0>} : vector<16xi32>
      %rev3A_122 = arith.subi %rev3A_120, %rev3A_121 : vector<16xi32>
      %rev3A_123 = tpu.dynamic_gather %sort3A_110[%rev3A_122] in [0] : vector<16xf32>, vector<16xi32> -> vector<16xf32>
      %rev3A_124 = arith.constant 15 : i32
      %rev3A_125 = vector.broadcast %rev3A_124 : i32 to vector<16xi32>
      %rev3A_126 = tpu.iota {dimensions = array<i32: 0>} : vector<16xi32>
      %rev3A_127 = arith.subi %rev3A_125, %rev3A_126 : vector<16xi32>
      %rev3A_128 = tpu.dynamic_gather %sort3A_118[%rev3A_127] in [0] : vector<16xf32>, vector<16xi32> -> vector<16xf32>
      %min3A = arith.minimumf %sort3A_106, %rev3A_123 : vector<16xf32>
      %sort3A_129 = arith.constant dense<true> : vector<16xi1>
      %sort3A_130, %sort3A_131, %sort3A_132 = tpu.sort %min3A, %min3A masked %sort3A_129 : (vector<16xf32>, vector<16xf32>, vector<16xi1>) -> (vector<16xi1>, vector<16xf32>, vector<16xf32>)
      %max3A = arith.maximumf %sort3A_106, %rev3A_123 : vector<16xf32>
      %sort3A_133 = arith.constant dense<true> : vector<16xi1>
      %sort3A_134, %sort3A_135, %sort3A_136 = tpu.sort %max3A, %max3A masked %sort3A_133 : (vector<16xf32>, vector<16xf32>, vector<16xi1>) -> (vector<16xi1>, vector<16xf32>, vector<16xf32>)
      %min3A_137 = arith.minimumf %sort3A_114, %rev3A_128 : vector<16xf32>
      %sort3A_138 = arith.constant dense<true> : vector<16xi1>
      %sort3A_139, %sort3A_140, %sort3A_141 = tpu.sort %min3A_137, %min3A_137 masked %sort3A_138 : (vector<16xf32>, vector<16xf32>, vector<16xi1>) -> (vector<16xi1>, vector<16xf32>, vector<16xf32>)
      %max3A_142 = arith.maximumf %sort3A_114, %rev3A_128 : vector<16xf32>
      %sort3A_143 = arith.constant dense<true> : vector<16xi1>
      %sort3A_144, %sort3A_145, %sort3A_146 = tpu.sort %max3A_142, %max3A_142 masked %sort3A_143 : (vector<16xf32>, vector<16xf32>, vector<16xi1>) -> (vector<16xi1>, vector<16xf32>, vector<16xf32>)
      %rev3A_147 = arith.constant 15 : i32
      %rev3A_148 = vector.broadcast %rev3A_147 : i32 to vector<16xi32>
      %rev3A_149 = tpu.iota {dimensions = array<i32: 0>} : vector<16xi32>
      %rev3A_150 = arith.subi %rev3A_148, %rev3A_149 : vector<16xi32>
      %rev3A_151 = tpu.dynamic_gather %sort3A_145[%rev3A_150] in [0] : vector<16xf32>, vector<16xi32> -> vector<16xf32>
      %min3A_152 = arith.minimumf %sort3A_131, %rev3A_151 : vector<16xf32>
      %rev3A_153 = arith.constant 15 : i32
      %rev3A_154 = vector.broadcast %rev3A_153 : i32 to vector<16xi32>
      %rev3A_155 = tpu.iota {dimensions = array<i32: 0>} : vector<16xi32>
      %rev3A_156 = arith.subi %rev3A_154, %rev3A_155 : vector<16xi32>
      %rev3A_157 = tpu.dynamic_gather %sort3A_140[%rev3A_156] in [0] : vector<16xf32>, vector<16xi32> -> vector<16xf32>
      %min3A_158 = arith.minimumf %sort3A_135, %rev3A_157 : vector<16xf32>
      %max3A_159 = arith.maximumf %min3A_152, %min3A_158 : vector<16xf32>
      %reduce_max3A = arith.constant true
      %reduce_max3A_160 = vector.broadcast %reduce_max3A : i1 to vector<16xi1>
      %reduce_max3A_161 = tpu.scan <max>, %max3A_159 masked %reduce_max3A_160 : vector<16xf32>, vector<16xi1> -> vector<16xf32>
      %reduce_max3A_162 = vector.extract %reduce_max3A_161[15] : f32 from vector<16xf32>
      %parallel_loop3A_163 = arith.constant 0 : i32
      %parallel_loop3A_164 = arith.constant 1024 : i32
      %parallel_loop3A_165 = arith.constant 1 : i32
      %parallel_loop3A_166 = arith.constant 0 : i32
      %parallel_loop3A_167 = scf.for %parallel_loop3A_216 = %parallel_loop3A_163 to %parallel_loop3A_164 step %parallel_loop3A_165 iter_args(%parallel_loop3A_217 = %parallel_loop3A_166) -> (i32)  : i32 {
        %parallel_loop3A_218 = arith.constant 16 : i32
        %parallel_loop3A_219 = arith.muli %parallel_loop3A_216, %parallel_loop3A_218 : i32
        %parallel_loop3A_220 = arith.index_cast %parallel_loop3A_219 : i32 to index
        %parallel_loop3A_221 = tpu.vector_load %arg11[%parallel_loop3A_220] {strides = array<i32>} : memref<16384xf32, #tpu.memory_space<vmem>>, vector<16xf32>,
        %parallel_loop3A_222 = vector.broadcast %reduce_max3A_162 : f32 to vector<16xf32>
        %parallel_loop3A_223 = arith.cmpf ole, %parallel_loop3A_221, %parallel_loop3A_222 : vector<16xf32>
        %parallel_loop3A_224 = tpu.all_reduce %parallel_loop3A_223 {dim = 0 : i64, kind = #tpu.reduction_kind<sum>} : vector<16xi1> -> vector<16xi32>
        %parallel_loop3A_225 = vector.extract_strided_slice %parallel_loop3A_224 {offsets = [0], sizes = [1], strides = [1]} : vector<16xi32> to vector<1xi32>
        %parallel_loop3A_226 = vector.extract %parallel_loop3A_225[0] : i32 from vector<1xi32>
        %parallel_loop3A_227 = vector.broadcast %parallel_loop3A_219 : i32 to vector<16xi32>
        %parallel_loop3A_228 = arith.addi %iota3A, %parallel_loop3A_227 : vector<16xi32>
        %parallel_loop3A_229 = arith.index_cast %parallel_loop3A_217 : i32 to index
        %parallel_loop3A_230 = tpu.vector_load %arg12[%parallel_loop3A_229] masked %parallel_loop3A_223 {strides = array<i32>} : memref<16416xi32, #tpu.memory_space<vmem>>, vector<16xi32>, vector<16xi1>
        tpu.vector_store %arg12[%parallel_loop3A_229], %parallel_loop3A_228 masked %parallel_loop3A_223 {strides = array<i32>} : memref<16416xi32, #tpu.memory_space<vmem>>, vector<16xi32>, vector<16xi1>
        %parallel_loop3A_231 = arith.addi %parallel_loop3A_217, %parallel_loop3A_226 : i32
        scf.yield %parallel_loop3A_231 : i32
      } {sc.loop_unroll_factor = 4 : i64, sc.parallel_access}
      %add3A_168 = arith.constant 16 : i32
      %add3A_169 = arith.addi %parallel_loop3A_167, %add3A_168 : i32
      %sub3A_170 = arith.constant 1 : i32
      %sub3A_171 = arith.subi %add3A_169, %sub3A_170 : i32
      %jit3A_172 = arith.constant 16 : i32
      %div3A_173 = arith.divsi %sub3A_171, %jit3A_172 : i32
      %sign3A_174 = arith.constant 0 : i32
      %sign3A_175 = arith.cmpi sgt, %sub3A_171, %sign3A_174 : i32
      %sign3A_176 = arith.extui %sign3A_175 : i1 to i32
      %sign3A_177 = arith.constant 0 : i32
      %sign3A_178 = arith.cmpi slt, %sub3A_171, %sign3A_177 : i32
      %sign3A_179 = arith.extui %sign3A_178 : i1 to i32
      %sign3A_180 = arith.subi %sign3A_176, %sign3A_179 : i32
      %sign3A_181 = arith.constant 0 : i32
      %sign3A_182 = arith.cmpi sgt, %jit3A_172, %sign3A_181 : i32
      %sign3A_183 = arith.extui %sign3A_182 : i1 to i32
      %sign3A_184 = arith.constant 0 : i32
      %sign3A_185 = arith.cmpi slt, %jit3A_172, %sign3A_184 : i32
      %sign3A_186 = arith.extui %sign3A_185 : i1 to i32
      %sign3A_187 = arith.subi %sign3A_183, %sign3A_186 : i32
      %ne3A_188 = arith.cmpi ne, %sign3A_180, %sign3A_187 : i32
      %rem3A_189 = arith.remsi %sub3A_171, %jit3A_172 : i32
      %ne3A_190 = arith.constant 0 : i32
      %ne3A_191 = arith.cmpi ne, %rem3A_189, %ne3A_190 : i32
      %and3A_192 = arith.andi %ne3A_188, %ne3A_191 : i1
      %sub3A_193 = arith.constant 1 : i32
      %sub3A_194 = arith.subi %div3A_173, %sub3A_193 : i32
      %select_n3A_195 = arith.select %and3A_192, %sub3A_194, %div3A_173 : i32
      %while3A = arith.constant 0 : i32
      %while3A_196 = arith.subi %select_n3A_195, %while3A : i32
      %while3A_197 = arith.addi %while3A, %while3A_196 : i32
      %while3A_198 = arith.constant 1 : i32
      %while3A_199 = arith.divsi %while3A_196, %while3A_198 : i32
      %while3A_200 = arith.muli %while3A_199, %while3A_198 : i32
      %while3A_201 = arith.addi %while3A, %while3A_200 : i32
      %while3A_202 = arith.constant 1 : i32
      %while3A_203:4 = scf.for %while3A_216 = %while3A to %while3A_201 step %while3A_202 iter_args(%while3A_217 = %broadcast_in_dim3A_78, %while3A_218 = %broadcast_in_dim3A_80, %while3A_219 = %broadcast_in_dim3A_78, %while3A_220 = %broadcast_in_dim3A_80) -> (vector<16xf32>, vector<16xi32>, vector<16xf32>, vector<16xi32>)  : i32 {
        %mul3A_221 = arith.constant 16 : i32
        %mul3A_222 = arith.muli %while3A_216, %mul3A_221 : i32
        %get3A_223 = arith.index_cast %mul3A_222 : i32 to index
        %get3A_224 = tpu.vector_load %arg12[%get3A_223] {strides = array<i32>} : memref<16416xi32, #tpu.memory_space<vmem>>, vector<16xi32>,
        %add3A_225 = vector.broadcast %mul3A_222 : i32 to vector<16xi32>
        %add3A_226 = arith.addi %iota3A, %add3A_225 : vector<16xi32>
        %lt3A_227 = vector.broadcast %parallel_loop3A_167 : i32 to vector<16xi32>
        %lt3A_228 = arith.cmpi slt, %add3A_226, %lt3A_227 : vector<16xi32>
        %gather3A = tpu.vector_load_idx %arg11[%get3A_224] masked %lt3A_228 : memref<16384xf32, #tpu.memory_space<vmem>>[vector<16xi32>], vector<16xf32>, vector<16xi1>
        %jit3A_229 = arith.constant 0x7F800000 : f32
        %broadcast_in_dim3A_230 = vector.broadcast %jit3A_229 : f32 to vector<16xf32>
        %select_n3A_231 = arith.select %lt3A_228, %gather3A, %broadcast_in_dim3A_230 : vector<16xi1>, vector<16xf32>
        %jit3A_232 = arith.constant 2147483647 : i32
        %broadcast_in_dim3A_233 = vector.broadcast %jit3A_232 : i32 to vector<16xi32>
        %select_n3A_234 = arith.select %lt3A_228, %get3A_224, %broadcast_in_dim3A_233 : vector<16xi1>, vector<16xi32>
        %masked_sort3A = arith.constant dense<true> : vector<16xi1>
        %masked_sort3A_235, %masked_sort3A_236, %masked_sort3A_237 = tpu.sort %select_n3A_231, %select_n3A_234 masked %masked_sort3A : (vector<16xf32>, vector<16xi32>, vector<16xi1>) -> (vector<16xi1>, vector<16xf32>, vector<16xi32>)
        %rev3A_238 = arith.constant 15 : i32
        %rev3A_239 = vector.broadcast %rev3A_238 : i32 to vector<16xi32>
        %rev3A_240 = tpu.iota {dimensions = array<i32: 0>} : vector<16xi32>
        %rev3A_241 = arith.subi %rev3A_239, %rev3A_240 : vector<16xi32>
        %rev3A_242 = tpu.dynamic_gather %masked_sort3A_236[%rev3A_241] in [0] : vector<16xf32>, vector<16xi32> -> vector<16xf32>
        %rev3A_243 = arith.constant 15 : i32
        %rev3A_244 = vector.broadcast %rev3A_243 : i32 to vector<16xi32>
        %rev3A_245 = tpu.iota {dimensions = array<i32: 0>} : vector<16xi32>
        %rev3A_246 = arith.subi %rev3A_244, %rev3A_245 : vector<16xi32>
        %rev3A_247 = tpu.dynamic_gather %masked_sort3A_237[%rev3A_246] in [0] : vector<16xi32>, vector<16xi32> -> vector<16xi32>
        %lt3A_248 = arith.cmpf olt, %while3A_219, %rev3A_242 : vector<16xf32>
        %eq3A_249 = arith.cmpf oeq, %while3A_219, %rev3A_242 : vector<16xf32>
        %lt3A_250 = arith.cmpi slt, %while3A_220, %rev3A_247 : vector<16xi32>
        %and3A_251 = arith.andi %eq3A_249, %lt3A_250 : vector<16xi1>
        %or3A = arith.ori %lt3A_248, %and3A_251 : vector<16xi1>
        %select_n3A_252 = arith.select %or3A, %while3A_219, %rev3A_242 : vector<16xi1>, vector<16xf32>
        %select_n3A_253 = arith.select %or3A, %while3A_220, %rev3A_247 : vector<16xi1>, vector<16xi32>
        %select_n3A_254 = arith.select %or3A, %rev3A_242, %while3A_219 : vector<16xi1>, vector<16xf32>
        %select_n3A_255 = arith.select %or3A, %rev3A_247, %while3A_220 : vector<16xi1>, vector<16xi32>
        %masked_sort3A_256 = arith.constant dense<true> : vector<16xi1>
        %masked_sort3A_257, %masked_sort3A_258, %masked_sort3A_259 = tpu.sort %select_n3A_252, %select_n3A_253 masked %masked_sort3A_256 : (vector<16xf32>, vector<16xi32>, vector<16xi1>) -> (vector<16xi1>, vector<16xf32>, vector<16xi32>)
        %rev3A_260 = arith.constant 15 : i32
        %rev3A_261 = vector.broadcast %rev3A_260 : i32 to vector<16xi32>
        %rev3A_262 = tpu.iota {dimensions = array<i32: 0>} : vector<16xi32>
        %rev3A_263 = arith.subi %rev3A_261, %rev3A_262 : vector<16xi32>
        %rev3A_264 = tpu.dynamic_gather %masked_sort3A_258[%rev3A_263] in [0] : vector<16xf32>, vector<16xi32> -> vector<16xf32>
        %rev3A_265 = arith.constant 15 : i32
        %rev3A_266 = vector.broadcast %rev3A_265 : i32 to vector<16xi32>
        %rev3A_267 = tpu.iota {dimensions = array<i32: 0>} : vector<16xi32>
        %rev3A_268 = arith.subi %rev3A_266, %rev3A_267 : vector<16xi32>
        %rev3A_269 = tpu.dynamic_gather %masked_sort3A_259[%rev3A_268] in [0] : vector<16xi32>, vector<16xi32> -> vector<16xi32>
        %lt3A_270 = arith.cmpf olt, %while3A_217, %rev3A_264 : vector<16xf32>
        %eq3A_271 = arith.cmpf oeq, %while3A_217, %rev3A_264 : vector<16xf32>
        %lt3A_272 = arith.cmpi slt, %while3A_218, %rev3A_269 : vector<16xi32>
        %and3A_273 = arith.andi %eq3A_271, %lt3A_272 : vector<16xi1>
        %or3A_274 = arith.ori %lt3A_270, %and3A_273 : vector<16xi1>
        %select_n3A_275 = arith.select %or3A_274, %while3A_217, %rev3A_264 : vector<16xi1>, vector<16xf32>
        %select_n3A_276 = arith.select %or3A_274, %while3A_218, %rev3A_269 : vector<16xi1>, vector<16xi32>
        %select_n3A_277 = arith.select %or3A_274, %rev3A_264, %while3A_217 : vector<16xi1>, vector<16xf32>
        %select_n3A_278 = arith.select %or3A_274, %rev3A_269, %while3A_218 : vector<16xi1>, vector<16xi32>
        %masked_sort3A_279 = arith.constant dense<true> : vector<16xi1>
        %masked_sort3A_280, %masked_sort3A_281, %masked_sort3A_282 = tpu.sort %select_n3A_275, %select_n3A_276 masked %masked_sort3A_279 : (vector<16xf32>, vector<16xi32>, vector<16xi1>) -> (vector<16xi1>, vector<16xf32>, vector<16xi32>)
        %masked_sort3A_283 = arith.constant dense<true> : vector<16xi1>
        %masked_sort3A_284, %masked_sort3A_285, %masked_sort3A_286 = tpu.sort %select_n3A_277, %select_n3A_278 masked %masked_sort3A_283 : (vector<16xf32>, vector<16xi32>, vector<16xi1>) -> (vector<16xi1>, vector<16xf32>, vector<16xi32>)
        scf.yield %masked_sort3A_281, %masked_sort3A_282, %masked_sort3A_285, %masked_sort3A_286 : vector<16xf32>, vector<16xi32>, vector<16xf32>, vector<16xi32>
      }
      %while3A_204 = arith.constant 1 : i32
      %while3A_205:4 = scf.for %while3A_216 = %while3A_201 to %while3A_197 step %while3A_204 iter_args(%while3A_217 = %while3A_203#0, %while3A_218 = %while3A_203#1, %while3A_219 = %while3A_203#2, %while3A_220 = %while3A_203#3) -> (vector<16xf32>, vector<16xi32>, vector<16xf32>, vector<16xi32>)  : i32 {
        %mul3A_221 = arith.constant 16 : i32
        %mul3A_222 = arith.muli %while3A_216, %mul3A_221 : i32
        %get3A_223 = arith.index_cast %mul3A_222 : i32 to index
        %get3A_224 = tpu.vector_load %arg12[%get3A_223] {strides = array<i32>} : memref<16416xi32, #tpu.memory_space<vmem>>, vector<16xi32>,
        %add3A_225 = vector.broadcast %mul3A_222 : i32 to vector<16xi32>
        %add3A_226 = arith.addi %iota3A, %add3A_225 : vector<16xi32>
        %lt3A_227 = vector.broadcast %parallel_loop3A_167 : i32 to vector<16xi32>
        %lt3A_228 = arith.cmpi slt, %add3A_226, %lt3A_227 : vector<16xi32>
        %gather3A = tpu.vector_load_idx %arg11[%get3A_224] masked %lt3A_228 : memref<16384xf32, #tpu.memory_space<vmem>>[vector<16xi32>], vector<16xf32>, vector<16xi1>
        %jit3A_229 = arith.constant 0x7F800000 : f32
        %broadcast_in_dim3A_230 = vector.broadcast %jit3A_229 : f32 to vector<16xf32>
        %select_n3A_231 = arith.select %lt3A_228, %gather3A, %broadcast_in_dim3A_230 : vector<16xi1>, vector<16xf32>
        %jit3A_232 = arith.constant 2147483647 : i32
        %broadcast_in_dim3A_233 = vector.broadcast %jit3A_232 : i32 to vector<16xi32>
        %select_n3A_234 = arith.select %lt3A_228, %get3A_224, %broadcast_in_dim3A_233 : vector<16xi1>, vector<16xi32>
        %masked_sort3A = arith.constant dense<true> : vector<16xi1>
        %masked_sort3A_235, %masked_sort3A_236, %masked_sort3A_237 = tpu.sort %select_n3A_231, %select_n3A_234 masked %masked_sort3A : (vector<16xf32>, vector<16xi32>, vector<16xi1>) -> (vector<16xi1>, vector<16xf32>, vector<16xi32>)
        %rev3A_238 = arith.constant 15 : i32
        %rev3A_239 = vector.broadcast %rev3A_238 : i32 to vector<16xi32>
        %rev3A_240 = tpu.iota {dimensions = array<i32: 0>} : vector<16xi32>
        %rev3A_241 = arith.subi %rev3A_239, %rev3A_240 : vector<16xi32>
        %rev3A_242 = tpu.dynamic_gather %masked_sort3A_236[%rev3A_241] in [0] : vector<16xf32>, vector<16xi32> -> vector<16xf32>
        %rev3A_243 = arith.constant 15 : i32
        %rev3A_244 = vector.broadcast %rev3A_243 : i32 to vector<16xi32>
        %rev3A_245 = tpu.iota {dimensions = array<i32: 0>} : vector<16xi32>
        %rev3A_246 = arith.subi %rev3A_244, %rev3A_245 : vector<16xi32>
        %rev3A_247 = tpu.dynamic_gather %masked_sort3A_237[%rev3A_246] in [0] : vector<16xi32>, vector<16xi32> -> vector<16xi32>
        %lt3A_248 = arith.cmpf olt, %while3A_219, %rev3A_242 : vector<16xf32>
        %eq3A_249 = arith.cmpf oeq, %while3A_219, %rev3A_242 : vector<16xf32>
        %lt3A_250 = arith.cmpi slt, %while3A_220, %rev3A_247 : vector<16xi32>
        %and3A_251 = arith.andi %eq3A_249, %lt3A_250 : vector<16xi1>
        %or3A = arith.ori %lt3A_248, %and3A_251 : vector<16xi1>
        %select_n3A_252 = arith.select %or3A, %while3A_219, %rev3A_242 : vector<16xi1>, vector<16xf32>
        %select_n3A_253 = arith.select %or3A, %while3A_220, %rev3A_247 : vector<16xi1>, vector<16xi32>
        %select_n3A_254 = arith.select %or3A, %rev3A_242, %while3A_219 : vector<16xi1>, vector<16xf32>
        %select_n3A_255 = arith.select %or3A, %rev3A_247, %while3A_220 : vector<16xi1>, vector<16xi32>
        %masked_sort3A_256 = arith.constant dense<true> : vector<16xi1>
        %masked_sort3A_257, %masked_sort3A_258, %masked_sort3A_259 = tpu.sort %select_n3A_252, %select_n3A_253 masked %masked_sort3A_256 : (vector<16xf32>, vector<16xi32>, vector<16xi1>) -> (vector<16xi1>, vector<16xf32>, vector<16xi32>)
        %rev3A_260 = arith.constant 15 : i32
        %rev3A_261 = vector.broadcast %rev3A_260 : i32 to vector<16xi32>
        %rev3A_262 = tpu.iota {dimensions = array<i32: 0>} : vector<16xi32>
        %rev3A_263 = arith.subi %rev3A_261, %rev3A_262 : vector<16xi32>
        %rev3A_264 = tpu.dynamic_gather %masked_sort3A_258[%rev3A_263] in [0] : vector<16xf32>, vector<16xi32> -> vector<16xf32>
        %rev3A_265 = arith.constant 15 : i32
        %rev3A_266 = vector.broadcast %rev3A_265 : i32 to vector<16xi32>
        %rev3A_267 = tpu.iota {dimensions = array<i32: 0>} : vector<16xi32>
        %rev3A_268 = arith.subi %rev3A_266, %rev3A_267 : vector<16xi32>
        %rev3A_269 = tpu.dynamic_gather %masked_sort3A_259[%rev3A_268] in [0] : vector<16xi32>, vector<16xi32> -> vector<16xi32>
        %lt3A_270 = arith.cmpf olt, %while3A_217, %rev3A_264 : vector<16xf32>
        %eq3A_271 = arith.cmpf oeq, %while3A_217, %rev3A_264 : vector<16xf32>
        %lt3A_272 = arith.cmpi slt, %while3A_218, %rev3A_269 : vector<16xi32>
        %and3A_273 = arith.andi %eq3A_271, %lt3A_272 : vector<16xi1>
        %or3A_274 = arith.ori %lt3A_270, %and3A_273 : vector<16xi1>
        %select_n3A_275 = arith.select %or3A_274, %while3A_217, %rev3A_264 : vector<16xi1>, vector<16xf32>
        %select_n3A_276 = arith.select %or3A_274, %while3A_218, %rev3A_269 : vector<16xi1>, vector<16xi32>
        %select_n3A_277 = arith.select %or3A_274, %rev3A_264, %while3A_217 : vector<16xi1>, vector<16xf32>
        %select_n3A_278 = arith.select %or3A_274, %rev3A_269, %while3A_218 : vector<16xi1>, vector<16xi32>
        %masked_sort3A_279 = arith.constant dense<true> : vector<16xi1>
        %masked_sort3A_280, %masked_sort3A_281, %masked_sort3A_282 = tpu.sort %select_n3A_275, %select_n3A_276 masked %masked_sort3A_279 : (vector<16xf32>, vector<16xi32>, vector<16xi1>) -> (vector<16xi1>, vector<16xf32>, vector<16xi32>)
        %masked_sort3A_283 = arith.constant dense<true> : vector<16xi1>
        %masked_sort3A_284, %masked_sort3A_285, %masked_sort3A_286 = tpu.sort %select_n3A_277, %select_n3A_278 masked %masked_sort3A_283 : (vector<16xf32>, vector<16xi32>, vector<16xi1>) -> (vector<16xi1>, vector<16xf32>, vector<16xi32>)
        scf.yield %masked_sort3A_281, %masked_sort3A_282, %masked_sort3A_285, %masked_sort3A_286 : vector<16xf32>, vector<16xi32>, vector<16xf32>, vector<16xi32>
      }
      %mul3A_206 = arith.constant 32 : i32
      %mul3A_207 = arith.muli %scan3A_89, %mul3A_206 : i32
      %swap3A = arith.index_cast %mul3A_207 : i32 to index
      %swap3A_208 = tpu.vector_load %arg13[%swap3A] {strides = array<i32>} : memref<4096xi32, #tpu.memory_space<vmem>>, vector<16xi32>,
      tpu.vector_store %arg13[%swap3A], %while3A_205#1 {strides = array<i32>} : memref<4096xi32, #tpu.memory_space<vmem>>, vector<16xi32>,
      %mul3A_209 = arith.constant 32 : i32
      %mul3A_210 = arith.muli %scan3A_89, %mul3A_209 : i32
      %add3A_211 = arith.constant 16 : i32
      %add3A_212 = arith.addi %mul3A_210, %add3A_211 : i32
      %swap3A_213 = arith.index_cast %add3A_212 : i32 to index
      %swap3A_214 = tpu.vector_load %arg13[%swap3A_213] {strides = array<i32>} : memref<4096xi32, #tpu.memory_space<vmem>>, vector<16xi32>,
      tpu.vector_store %arg13[%swap3A_213], %while3A_205#3 {strides = array<i32>} : memref<4096xi32, #tpu.memory_space<vmem>>, vector<16xi32>,
      %scan3A_215 = arith.constant 0 : i32
      scf.yield %scan3A_215 : i32
    }
    %scan3A_86 = arith.constant 128 : i32
    %mul3A_87 = arith.constant 4096 : i32
    %mul3A_88 = arith.muli %add3A, %mul3A_87 : i32
    "tpu.region"() ({
      %run_scoped3A = tpu.sem_alloc : memref<!tpu.dma_semaphore, #tpu.memory_space<semaphore_mem>>
      %dma_start3A = tpu.memref_slice %arg4[%mul3A_88] : memref<131072xi32, #tpu.memory_space<hbm>> -> memref<4096xi32, #tpu.memory_space<hbm>>
      %dma_start3A_89 = tpu.memref_slice %arg4[%mul3A_88] : memref<131072xi32, #tpu.memory_space<hbm>> -> memref<4096xi32, #tpu.memory_space<hbm>>
      tpu.enqueue_dma source(%arg13 : memref<4096xi32, #tpu.memory_space<vmem>>) target(%dma_start3A_89 : memref<4096xi32, #tpu.memory_space<hbm>>) target_semaphore(%run_scoped3A : memref<!tpu.dma_semaphore, #tpu.memory_space<semaphore_mem>>)
      %dma_wait3A = tpu.memref_slice %arg4[%mul3A_88] : memref<131072xi32, #tpu.memory_space<hbm>> -> memref<4096xi32, #tpu.memory_space<hbm>>
      %dma_wait3A_90 = tpu.memref_slice %arg4[%mul3A_88] : memref<131072xi32, #tpu.memory_space<hbm>> -> memref<4096xi32, #tpu.memory_space<hbm>>
      tpu.wait_dma2 semaphore(%run_scoped3A : memref<!tpu.dma_semaphore, #tpu.memory_space<semaphore_mem>>) src(%arg13 : memref<4096xi32, #tpu.memory_space<vmem>>) dst(%dma_wait3A_90 : memref<4096xi32, #tpu.memory_space<hbm>>)
      tpu.yield
    }) : () -> ()
    return
  }
}

</mosaic_0001>

<sc_bundles>
// kernel: _knn.3.cloned.1.call-start
scs
__scs_entry_jumppad:
0x0: {  	(pc) =	sbr.rel $0x88, $3  }
0x1: {  	(tag) =	ssettag $0x0;
	lr =	simm.s32 $0x1  }
0x2: {  	[smem:$0x3F9F] =	sst lr;
	_ =	strace $0xD0000000  }
0x3: {  	_ = 	snop  }
0x4: {  	_ = 	snop  }
0x5: {  	_ = 	snop  }
0x6: {  	_ = 	snop  }
0x7: {  	_ = 	snop  }
__scs_overlays_trampoline_lowered:
0x8: {  	[smem:$0x3FAE] =	sst s0  }
0x9: {  	[smem:$0x3FAF] =	sst s1  }
0xa: {  	[smem:$0x3FB0] =	sst s2  }
0xb: {  	[smem:$0x3FB1] =	sst s3  }
0xc: {  	[smem:$0x3FB2] =	sst s4  }
0xd: {  	[smem:$0x3FB3] =	sst s5  }
0xe: {  	[smem:$0x3FB4] =	sst s6  }
0xf: {  	[smem:$0x3FB5] =	sst s7  }
0x10: {  	[smem:$0x3FB6] =	sst s8  }
0x11: {  	[smem:$0x3FB7] =	sst s9;
	s0 =	simm.s32 @!p0 $0x0  }
0x12: {  	s1 =	sld [smem:$0x3F9D];
	s0 =	simm.s32 @p0 $0x1  }
0x13: {  	[smem:$0x3FB8] =	sst s0;
	s0 =	simm.s32 @!p1 $0x0  }
0x14: {  	s2 =	sld [smem:$0x3F9C];
	s0 =	simm.s32 @p1 $0x1  }
0x15: {  	[smem:$0x3FB9] =	sst s0;
	s0 =	simm.s32 @!p2 $0x0  }
0x16: {  	s3 =	sld [smem:$0x3FDB];
	s0 =	simm.s32 @p2 $0x1  }
0x17: {  	s4 =	simm.s32 $0x1BF5;
	[smem:$0x3FBB] =	sst s0  }
0x18: {  	s0 =	sld [smem:$0x3F9E];
	_ =	swait.ge [sflag:s4], $0x0  }
0x19: {  	s7 =	sld [smem:$0x3F9F]  }
0x1a: {  	s8 =	sadd.s32 $0xFFFFE003, lr  }
0x1b: {  	s9 =	sadd.s32 $0xFFFFFEF7, lr;
	s5 =	simm.s32 $0xFFFFFFFF;
	p2 =	slt.u32 s8, $0xFFFFF086  }
0x1c: {  	p1 =	slt.u32 s9, $0xF7A;
	s5 =	simm.s32 @!p2 $0x0  }
0x1d: {  	s5 =	simm.s32 @p1 $0x1;
	p0 =	seq.s32 s7, s2  }
0x1e: {  	s7 =	smul.u32 @!p0 $0xF7A, s2;
	p2 =	seq.s32 @!p0 s5, $0x0  }
0x1f: {  	s9 =	smul.u32 $0xF7A, s1;
	s8 =	simm.s32 @!p0 $0x1BF5;
	p2 =	por !p2, p0  }
0x20: {  	[sflag:s8] =	ssyncset.s32 @!p0 $0xFFFFF086;
	s6 =	sadd.s32 @!p0 s3, s7;
	s7 =	simm.s32 @!p0 $0x108  }
0x21: {  	s3 =	sadd.s32 s3, s9;
	s6 =	sadd.s32 @!p0 $0x88, s6;
	s7 =	simm.s32 @p2 $0x1082  }
0x22: {  	[simem:s7], [sflag:s8] =	dma.local @!p0 [hbm:s6], $0xF7A  }
0x23: {  	s9 =	sor.u32 $0xD0000000, s2;
	s6 =	simm.s32 $0x108;
	_ =	swait.ge @!p0 [sflag:s8], $0x0  }
0x24: {  	s3 =	sadd.s32 $0x88, s3;
	s6 =	simm.s32 @!p1 $0x1082;
	[sflag:s4] =	ssyncset.s32 $0xFFFFF086  }
0x25: {  	[simem:s6], [sflag:s4] =	dma.local [hbm:s3], $0xF7A  }
0x26: {  	[smem:$0x3F9F] =	sst s1;
	(tag) =	ssettag s2;
	_ =	strace s9  }
0x27: {  	s1 =	sld [smem:$0x3FAF]  }
0x28: {  	s2 =	sld [smem:$0x3FB0]  }
0x29: {  	s4 =	sld [smem:$0x3FB2]  }
0x2a: {  	p0 =	seq.s32 s5, $0x0;
	s5 =	sld [smem:$0x3FB3]  }
0x2b: {  	s6 =	sld [smem:$0x3FB4]  }
0x2c: {  	s7 =	sld [smem:$0x3FB5]  }
0x2d: {  	s3 =	simm.s32 $0x108;
	s8 =	sld [smem:$0x3FB6]  }
0x2e: {  	s3 =	simm.s32 @!p0 $0x1082;
	s9 =	sld [smem:$0x3FB7]  }
0x2f: {  	lr =	sadd.s32 s0, s3;
	s0 =	sld [smem:$0x3FAE]  }
0x30: {  	s3 =	sld [smem:$0x3FB1]  }
0x31: {  	[smem:$0x3FBA] =	sst s10  }
0x32: {  	s10 =	sld [smem:$0x3FB8];
	_ =	sdelay $0x3  }
0x33: {  	p0 =	seq.s32 s10, $0x1;
	s10 =	sld [smem:$0x3FBA];
	_ =	sdelay $0x3  }
0x34: {  	[smem:$0x3FBA] =	sst s10  }
0x35: {  	s10 =	sld [smem:$0x3FB9];
	_ =	sdelay $0x3  }
0x36: {  	p1 =	seq.s32 s10, $0x1;
	s10 =	sld [smem:$0x3FBA];
	_ =	sdelay $0x3  }
0x37: {  	[smem:$0x3FBA] =	sst s10  }
0x38: {  	s10 =	sld [smem:$0x3FBB]  }
0x39: {  	_ = 	snop;
	(pc) =	sbr.ind lr, $3  }
0x3a: {  	_ = 	snop  }
0x3b: {  	_ = 	snop  }
0x3c: {  	p2 =	seq.s32 s10, $0x1;
	s10 =	sld [smem:$0x3FBA]  }
0x3d: {  	_ =	shalt  }
0x3e: {  	_ =	shalt  }
0x3f: {  	_ =	shalt  }
0x40: {  	_ =	shalt  }
0x41: {  	_ =	shalt  }
0x42: {  	_ =	shalt  }
0x43: {  	_ =	shalt  }
0x44: {  	_ =	shalt  }
0x45: {  	_ =	shalt  }
0x46: {  	_ =	shalt  }
0x47: {  	_ =	shalt  }
0x48: {  	_ =	shalt  }
0x49: {  	_ =	shalt  }
0x4a: {  	_ =	shalt  }
0x4b: {  	_ =	shalt  }
0x4c: {  	_ =	shalt  }
0x4d: {  	_ =	shalt  }
0x4e: {  	_ =	shalt  }
0x4f: {  	_ =	shalt  }
0x50: {  	_ =	shalt  }
0x51: {  	_ =	shalt  }
0x52: {  	_ =	shalt  }
0x53: {  	_ =	shalt  }
0x54: {  	_ =	shalt  }
0x55: {  	_ =	shalt  }
0x56: {  	_ =	shalt  }
0x57: {  	_ =	shalt  }
0x58: {  	_ =	shalt  }
0x59: {  	_ =	shalt  }
0x5a: {  	_ =	shalt  }
0x5b: {  	_ =	shalt  }
0x5c: {  	_ =	shalt  }
0x5d: {  	_ =	shalt  }
0x5e: {  	_ =	shalt  }
0x5f: {  	_ =	shalt  }
0x60: {  	_ =	shalt  }
0x61: {  	_ =	shalt  }
0x62: {  	_ =	shalt  }
0x63: {  	_ =	shalt  }
0x64: {  	_ =	shalt  }
0x65: {  	_ =	shalt  }
0x66: {  	_ =	shalt  }
0x67: {  	_ =	shalt  }
0x68: {  	_ =	shalt  }
0x69: {  	_ =	shalt  }
0x6a: {  	_ =	shalt  }
0x6b: {  	_ =	shalt  }
0x6c: {  	_ =	shalt  }
0x6d: {  	_ =	shalt  }
0x6e: {  	_ =	shalt  }
0x6f: {  	_ =	shalt  }
0x70: {  	_ =	shalt  }
0x71: {  	_ =	shalt  }
0x72: {  	_ =	shalt  }
0x73: {  	_ =	shalt  }
0x74: {  	_ =	shalt  }
0x75: {  	_ =	shalt  }
0x76: {  	_ =	shalt  }
0x77: {  	_ =	shalt  }
0x78: {  	_ =	shalt  }
0x79: {  	_ =	shalt  }
0x7a: {  	_ =	shalt  }
0x7b: {  	_ =	shalt  }
0x7c: {  	_ =	shalt  }
0x7d: {  	_ =	shalt  }
0x7e: {  	_ =	shalt  }
0x7f: {  	_ =	shalt  }
0x80: {  	_ =	shalt  }
0x81: {  	_ =	shalt  }
0x82: {  	_ =	shalt  }
0x83: {  	_ =	shalt  }
0x84: {  	_ =	shalt  }
0x85: {  	_ =	shalt  }
0x86: {  	_ =	shalt  }
0x87: {  	_ =	shalt  }
.Lfunc_end0:
.L_simem_size_0:
called_computation_lowered:
.L_overlay_start_0:
0x88: {  	s2 =	sld [smem:$0x3FD9]  }
0x89: {  	s3 =	sld [smem:$0x3FFE];
	_ =	sdelay $0x1  }
0x8a: {  	s1 =	srdreg.scid  }
0x8b: {  	s0 =	sand.u32 $0x1, s1  }
0x8c: {  	s18 =	sshll.u32 s0, $0xA;
	s2 =	sadd.s32 s3, s2  }
0x8d: {  	s2 =	sadd.s32 s2, s18  }
0x8e: {  	[smem:$0x3FC6] =	sst s2  }
0x8f: {  	_ = 	snop  }
0x90: {  	s2 =	sld [smem:$0x3FC9]  }
0x91: {  	s19 =	sld [smem:$0x3FC8]  }
0x92: {  	s4 =	sld [smem:$0x3FD0];
	(tm) =	ssettm $0x1  }
0x93: {  	s5 =	sld [smem:$0x3FFB];
	_ =	sdelay $0x3  }
0x94: {  	_ =	strace s5  }
0x95: {  	s5 =	sld [smem:$0x3FFC];
	_ =	sdelay $0x3  }
0x96: {  	_ =	strace s5  }
0x97: {  	s5 =	sld [smem:$0x3FFD];
	_ =	sdelay $0x3  }
0x98: {  	_ =	strace s5  }
0x99: {  	_ =	strace $0x8FFFFFFF  }
0x9a: {  	s20 =	sld [smem:$0x3FDB];
	_ =	sdelay $0x1  }
0x9b: {  	s6 =	simm.s32 $_scs_section_size  }
0x9c: {  	s7 =	simm.s32 $_size__tile_overlayer_lowered;
	s8 =	simm.s32 $_tile_overlayer_lowered  }
0x9d: {  	s23 =	simm.s32 $0x1BFF;
	s22 =	sshll.u32 s8, $0x1;
	s5 =	sadd.s32 s6, s20  }
0x9e: {  	s9 =	simm.s32 $0x0;
	s21 =	sshll.u32 s7, $0x1;
	s7 =	sadd.s32 s22, s5  }
0x9f: {  	[timem:s9], [sflag:s23] =	dma.local [hbm:s7], s21  }
0xa0: {  	_ =	swait.ge [sflag:s23], s21  }
0xa1: {  	s6 =	ssub.s32 $0x0, s21;
	[sflag:s23] =	ssyncset.done $0x0  }
0xa2: {  	[sflag:s23] =	ssyncadd.s32 s6;
	_ =	sdelay $0x1  }
0xa3: {  	s24 =	simm.s32 $0x1B8B  }
0xa4: {  	_ =	swait.ge [sflag:s24], $0x1  }
0xa5: {  	[sflag:s24] =	ssyncset.done $0x0  }
0xa6: {  	s25 =	simm.s32 $0x1B8E;
	[sflag:s24] =	ssyncadd.s32 $0xFFFFFFFF  }
0xa7: {  	s26 =	simm.s32 $execute0_lowered;
	[smem:$0x3FD2] =	sst s25  }
0xa8: {  	s6 =	sshll.u32 s26, $0x1;
	_ =	strace $0x80000046;
	[dreg:$0x1] =	wrdreg $0xFFFFFFFF  }
0xa9: {  	s28 =	simm.s32 $_size_execute0_lowered;
	s5 =	sadd.s32 s5, s6;
	[dreg:$0x0] =	wrdreg $0x0  }
0xaa: {  	s6 =	sshll.u32 s28, $0x1;
	[dreg:$0x2] =	wrdreg s5  }
0xab: {  	[dreg:$0x3] =	wrdreg s6  }
0xac: {  	[dreg:$0x4] =	wrdreg $0xC0  }
0xad: {  	_ =	task [dreg:s9], $0x5FFFF  }
0xae: {  	[dreg:$0x1] =	wrdreg $0xFFFFFFFF  }
0xaf: {  	[dreg:$0x0] =	wrdreg $0x60  }
0xb0: {  	[dreg:$0x2] =	wrdreg s2  }
0xb1: {  	[dreg:$0x3] =	wrdreg s19  }
0xb2: {  	[dreg:$0x4] =	wrdreg s4  }
0xb3: {  	[dreg:$0x5] =	wrdreg $0x9  }
0xb4: {  	_ =	task.clear_ibuf [dreg:s9], $0x6FFFF;
	_ =	strace $0x90000046  }
0xb5: {  	s29 =	simm.s32 $0x9;
	_ =	strace $0x80000048  }
0xb6: {  	_ =	swait.ge [sflag:s29], $0x1  }
0xb7: {  	[sflag:s29] =	ssyncadd.s32 $0xFFFFFFFF  }
0xb8: {  	_ =	strace $0x90000048  }
0xb9: {  	_ =	sfence  }
0xba: {  	s30 =	sld [smem:$0x0];
	_ =	sdelay $0x2  }
0xbb: {  	s31 =	sshll.u32 s1, $0xD;
	s1 =	sshrl.u32 s1, $0x2  }
0xbc: {  	s3 =	sand.u32 $0x4000, s31;
	s1 =	sadd.s32 s1, s30  }
0xbd: {  	s0 =	sor.u32 s3, s0;
	s1 =	sshll.u32 s1, $0x11  }
0xbe: {  	s0 =	sor.u32 s1, s0  }
0xbf: {  	s0 =	sadd.s32 $0x8F2B, s0  }
0xc0: {  	[sflag:s0] =	ssyncadd.remote.s32 $0x1  }
0xc1: {  	_ =	sfence.sel $0xFFFF  }
0xc2: {  	[dreg:$0x0] =	wrdreg $0xFFFFFFFF;
	(pc) =	sbr.abs _section_cstart, $3  }
0xc3: {  	[dreg:$0x1] =	wrdreg $0xFFFFFFFF  }
0xc4: {  	_ =	task.clear_ibuf [dreg:s9], $0x2FFFF;
	_ =	strace $0x9FFFFFFF  }
0xc5: {  	(tm) =	ssettm $0x7FFFFFFF  }
tec
execute0_lowered:
.L_overlay_start_1:
0x0: {  	(tag) =	ssettag $0x1  }
0x1: {  	s0 =	rddreg [dreg:$0x0]  }
0x2: {  	s1 =	rddreg [dreg:$0x1]  }
0x3: {  	s9 =	rddreg [dreg:$0x2]  }
0x4: {  	s3 =	srdreg.scid;
	s2 =	simm.s32 $0x0;
	s7 =	stileid.u32  }
0x5: {  	s14 =	simm.s32 $0xC000;
	s15 =	simm.s32 $0xC800;
	s16 =	simm.s32 $0xD000  }
0x6: {  	s17 =	simm.s32 $0xD800;
	s18 =	simm.s32 $0x15880;
	s19 =	simm.s32 $0x0  }
0x7: {  	s3 =	sand.u32 $0x1, s3;
	[smem:$0x7FF] =	sst s2;
	s5 =	sshrl.u32 s7, $0x2  }
0x8: {  	s7 =	sshll.u32 s7, $0x1;
	s4 =	ssub.s32 $0x2, s3;
	s8 =	smul.u32 $0x3, s5  }
0x9: {  	_ =	strace $0x80000047;
	s11 =	sor.u32 s3, s7;
	s24 =	smul.u32 $0x1800, s5  }
0xa: {  	s6 =	sshrl.u32 s4, $0x1;
	s12 =	sand.u32 $0x7, s11;
	s11 =	sshll.u32 s11, $0x9  }
0xb: {  	s10 =	ssub.s32 s4, s6;
	s25 =	sadd.s32 $0x1, s8;
	s8 =	sadd.s32 $0x2, s8  }
0xc: {  	s3 =	sadd.s32 s0, s24;
	s29 =	sshll.u32 s12, $0x8;
	s12 =	sshll.u32 s12, $0xB  }
0xd: {  	s6 =	sadd.s32 s1, s24;
	s9 =	sadd.s32 s9, s11;
	s11 =	simm.s32 $0x1  }
.Ltmp0:
0xe: {  	s26 =	sshll.u32 s25, $0xB;
	s28 =	sshll.u32 s8, $0xB;
	(pc) =	sbr.rel .LBB2_1-.Ltmp0, $4  }
0xf: {  	v0 =	vlaneseq.u32;
	s7 =	sshll.u32 s25, $0xE;
	s8 =	sshll.u32 s8, $0xE;
	s6 =	sadd.s32 s29, s6  }
0x10: {  	v1 =	vmul.u32 $0xFFFFFFFF, v0;
	s10 =	smax.u32 s10, $0x1;
	s7 =	sor.u32 s12, s7;
	s8 =	sor.u32 s12, s8  }
0x11: {  	s4 =	sadd.s32 s0, s26;
	s30 =	sshrl.u32 s7, $0x3;
	s31 =	sshrl.u32 s8, $0x3  }
0x12: {  	v1 =	vadd.s32 $0xF, v1;
	s5 =	sadd.s32 s0, s28;
	s7 =	sadd.s32 s1, s30;
	s8 =	sadd.s32 s1, s31  }
.LBB2_15:
0x13: {  	s19 =	sadd.s32 $0x1, s19  }
0x14: {  	p0 =	sne.s32 s19, s10  }
.Ltmp1:
0x15: {  	_ = 	snop;
	(pc) =	sbr.rel @!p0 .LBB2_16-.Ltmp1, $4  }
0x16: {  	[hbm4b:s9+s2] =	stream.linear.scatter [tilespmem:s18], [sflag:$0x1], $0x1000, $0x38;
	[tilespmem:$0x16880] =	vst v63  }
0x17: {  	_ =	swait.ge [sflag:s11], $0x1000  }
0x18: {  	[sflag:s11] =	ssyncset.done $0x0  }
0x19: {  	[sflag:s11] =	ssyncadd.s32 $0xFFFFF000  }
.LBB2_1:
0x1a: {  	[tilespmem:s2], [sflag:$0x1] =	stream.linear.gather [hbm4b:s3+s2], $0x4000, $0x38;
	[tilespmem:$0x16880] =	vst v63  }
0x1b: {  	_ =	swait.ge [sflag:s11], $0x4000  }
0x1c: {  	[sflag:s11] =	ssyncset.done $0x0  }
0x1d: {  	s0 =	simm.s32 $0x4000;
	[sflag:s11] =	ssyncadd.s32 $0xFFFFC000  }
0x1e: {  	[tilespmem:s0], [sflag:$0x1] =	stream.linear.gather [hbm4b:s4+s2], $0x4000, $0x38;
	[tilespmem:$0x16880] =	vst v63  }
0x1f: {  	_ =	swait.ge [sflag:s11], $0x4000  }
0x20: {  	[sflag:s11] =	ssyncset.done $0x0  }
0x21: {  	s31 =	simm.s32 $0x8000;
	[sflag:s11] =	ssyncadd.s32 $0xFFFFC000  }
0x22: {  	[tilespmem:s31], [sflag:$0x1] =	stream.linear.gather [hbm4b:s5+s2], $0x4000, $0x38;
	[tilespmem:$0x16880] =	vst v63  }
0x23: {  	_ =	swait.ge [sflag:s11], $0x4000  }
0x24: {  	[sflag:s11] =	ssyncset.done $0x0  }
0x25: {  	[sflag:s11] =	ssyncadd.s32 $0xFFFFC000  }
0x26: {  	[tilespmem:s14], [sflag:$0x1] =	stream.linear.gather [hbm4b:s6+s2], $0x800, $0x38;
	[tilespmem:$0x16880] =	vst v63  }
0x27: {  	_ =	swait.ge [sflag:s11], $0x800  }
0x28: {  	[sflag:s11] =	ssyncset.done $0x0  }
0x29: {  	[sflag:s11] =	ssyncadd.s32 $0xFFFFF800  }
0x2a: {  	[tilespmem:s15], [sflag:$0x1] =	stream.linear.gather [hbm4b:s7+s2], $0x800, $0x38;
	[tilespmem:$0x16880] =	vst v63  }
0x2b: {  	_ =	swait.ge [sflag:s11], $0x800  }
0x2c: {  	[sflag:s11] =	ssyncset.done $0x0  }
.Ltmp2:
0x2d: {  	[sflag:s11] =	ssyncadd.s32 $0xFFFFF800;
	(pc) =	sbr.rel .LBB2_2-.Ltmp2, $4  }
0x2e: {  	[tilespmem:s16], [sflag:$0x1] =	stream.linear.gather [hbm4b:s8+s2], $0x800, $0x38;
	[tilespmem:$0x16880] =	vst v63  }
0x2f: {  	_ =	swait.ge [sflag:s11], $0x800  }
0x30: {  	[sflag:s11] =	ssyncset.done $0x0  }
0x31: {  	s20 =	simm.s32 $0x0;
	[sflag:s11] =	ssyncadd.s32 $0xFFFFF800  }
.LBB2_7:
0x32: {  	v3 =	vimm.s32 $0x7FFFFFFF;
	v2 =	vimm.s32 $0x7FFFFFFF  }
.LBB2_14:
0x33: {  	s0 =	sshll.u32 s20, $0x5;
	s20 =	sadd.s32 $0x1, s20  }
0x34: {  	p0 =	sne.s32 s20, $0x80  }
.Ltmp3:
0x35: {  	_ = 	snop;
	(pc) =	sbr.rel @!p0 .LBB2_15-.Ltmp3, $4  }
0x36: {  	_ = 	snop  }
0x37: {  	s0 =	sand.u32 $0x3FFFFFE0, s0  }
0x38: {  	[tilespmem:s0+$0x15880] =	vst v3  }
0x39: {  	[tilespmem:s0+$0x15890] =	vst v2  }
.LBB2_2:
0x3a: {  	s0 =	sshll.u32 s20, $0x4  }
0x3b: {  	v2 =	vld [tilespmem:s0+$0xC000]  }
0x3c: {  	s28 =	simm.s32 $0x4080;
	v4 =	vld [tilespmem:s0+$0xC800]  }
0x3d: {  	s26 =	simm.s32 $0x80;
	v5 =	vld [tilespmem:s28+$0xFFFFFF80]  }
0x3e: {  	v6 =	vld [tilespmem:s26+$0xFFFFFF80]  }
0x3f: {  	s29 =	simm.s32 $0x8080;
	v3 =	vld [tilespmem:s0+$0xD000]  }
0x40: {  	v7 =	vld [tilespmem:s29+$0xFFFFFF80]  }
0x41: {  	v8 =	vld [tilespmem:s28+$0xFFFFFFC0]  }
0x42: {  	v9 =	vld [tilespmem:s26+$0xFFFFFFC0]  }
0x43: {  	v10 =	vld [tilespmem:s29+$0xFFFFFFC0]  }
0x44: {  	v11 =	vld [tilespmem:s28+$0x40];
	v6 =	vsub.f32 v2, v6;
	v5 =	vsub.f32 v4, v5  }
0x45: {  	v12 =	vld [tilespmem:s28+$0x0]  }
0x46: {  	v13 =	vld [tilespmem:s26+$0x40];
	v7 =	vsub.f32 v3, v7;
	v6 =	vmul.f32 v6, v6;
	v5 =	vmul.f32 v5, v5  }
0x47: {  	v14 =	vld [tilespmem:s29+$0x40];
	v8 =	vsub.f32 v4, v8;
	v9 =	vsub.f32 v2, v9  }
0x48: {  	s22 =	simm.s32 $0x8180;
	v7 =	vmul.f32 v7, v7;
	v5 =	vadd.f32 v5, v6;
	v6 =	vsub.f32 v3, v10;
	v10 =	vld [tilespmem:s26+$0x0]  }
0x49: {  	v15 =	vld [tilespmem:s22+$0xFFFFFFC0];
	v8 =	vmul.f32 v8, v8;
	v9 =	vmul.f32 v9, v9  }
0x4a: {  	v7 =	vadd.f32 v7, v5;
	v5 =	vld [tilespmem:s29+$0x0]  }
0x4b: {  	s23 =	simm.s32 $0x4180;
	v19 =	vld [tilespmem:s22+$0x40];
	v8 =	vadd.f32 v8, v9;
	v6 =	vmul.f32 v6, v6  }
0x4c: {  	v23 =	vld [tilespmem:s23+$0x0];
	v9 =	vsub.f32 v4, v12  }
0x4d: {  	s21 =	simm.s32 $0xD880;
	s25 =	simm.s32 $0x180;
	v27 =	vld [tilespmem:s22+$0xFFFFFF80];
	v6 =	vadd.f32 v6, v8;
	v8 =	vsub.f32 v2, v10  }
0x4e: {  	v28 =	vld [tilespmem:s25+$0xFFFFFFC0];
	v11 =	vsub.f32 v4, v11;
	v13 =	vsub.f32 v2, v13;
	[tilespmem:s21+$0xFFFFFF80] =	vst v7  }
0x4f: {  	v9 =	vmul.f32 v9, v9;
	v12 =	vld [tilespmem:s28+$0xFFFFFF90];
	v5 =	vsub.f32 v3, v5;
	v8 =	vmul.f32 v8, v8  }
0x50: {  	v14 =	vsub.f32 v3, v14;
	v11 =	vmul.f32 v11, v11;
	v16 =	vld [tilespmem:s26+$0xFFFFFF90]  }
0x51: {  	v13 =	vmul.f32 v13, v13;
	v10 =	vld [tilespmem:s29+$0xFFFFFF90];
	[tilespmem:s21+$0xFFFFFFC0] =	vst v6;
	v5 =	vmul.f32 v5, v5;
	v8 =	vadd.f32 v9, v8  }
0x52: {  	v17 =	vld [tilespmem:s26+$0xFFFFFFD0]  }
0x53: {  	v11 =	vadd.f32 v11, v13;
	v18 =	vld [tilespmem:s28+$0xFFFFFFD0];
	v9 =	vmul.f32 v14, v14;
	v8 =	vadd.f32 v5, v8  }
0x54: {  	v14 =	vld [tilespmem:s23+$0xFFFFFF80];
	v12 =	vsub.f32 v4, v12  }
0x55: {  	v5 =	vsub.f32 v2, v16;
	v11 =	vadd.f32 v9, v11;
	v9 =	vld [tilespmem:s29+$0xFFFFFFD0];
	[tilespmem:s21+$0x0] =	vst v8  }
0x56: {  	v16 =	vld [tilespmem:s29+$0x10]  }
0x57: {  	v10 =	vsub.f32 v3, v10;
	v12 =	vmul.f32 v12, v12;
	v5 =	vmul.f32 v5, v5;
	[tilespmem:s21+$0x40] =	vst v11;
	v20 =	vld [tilespmem:s26+$0x10]  }
0x58: {  	v17 =	vsub.f32 v2, v17;
	v21 =	vld [tilespmem:s26+$0x50]  }
0x59: {  	v10 =	vmul.f32 v10, v10;
	v18 =	vsub.f32 v4, v18;
	v22 =	vld [tilespmem:s29+$0x50];
	v5 =	vadd.f32 v12, v5  }
0x5a: {  	v27 =	vsub.f32 v3, v27;
	v17 =	vmul.f32 v17, v17;
	v12 =	vld [tilespmem:s28+$0x10]  }
0x5b: {  	v9 =	vsub.f32 v3, v9;
	v10 =	vadd.f32 v10, v5;
	v5 =	vmul.f32 v18, v18;
	v18 =	vld [tilespmem:s28+$0x50]  }
0x5c: {  	v29 =	vld [tilespmem:s25+$0x0];
	v15 =	vsub.f32 v3, v15;
	v27 =	vmul.f32 v27, v27;
	v14 =	vsub.f32 v4, v14  }
0x5d: {  	s24 =	simm.s32 $0x8280;
	v30 =	vld [tilespmem:s22+$0x0];
	v9 =	vmul.f32 v9, v9;
	v5 =	vadd.f32 v5, v17;
	v20 =	vsub.f32 v2, v20  }
0x5e: {  	v33 =	vld [tilespmem:s24+$0xFFFFFFC0];
	v15 =	vmul.f32 v15, v15;
	v16 =	vsub.f32 v3, v16;
	v21 =	vsub.f32 v2, v21  }
0x5f: {  	v13 =	vld [tilespmem:s23+$0x40];
	v12 =	vsub.f32 v4, v12;
	v24 =	vadd.f32 v9, v5;
	v9 =	vmul.f32 v20, v20  }
0x60: {  	[tilespmem:s21+$0xFFFFFF90] =	vst v10;
	v20 =	vmul.f32 v21, v21;
	v21 =	vsub.f32 v3, v22;
	v22 =	vld [tilespmem:s23+$0xFFFFFFC0];
	v5 =	vsub.f32 v4, v18  }
0x61: {  	v14 =	vmul.f32 v14, v14;
	v18 =	vld [tilespmem:s26+$0xFFFFFFA0];
	v12 =	vmul.f32 v12, v12  }
0x62: {  	v29 =	vsub.f32 v2, v29;
	v25 =	vld [tilespmem:s28+$0xFFFFFFA0];
	v16 =	vmul.f32 v16, v16;
	v5 =	vmul.f32 v5, v5  }
0x63: {  	v17 =	vld [tilespmem:s29+$0xFFFFFFA0];
	[tilespmem:s21+$0xFFFFFFD0] =	vst v24;
	v21 =	vmul.f32 v21, v21;
	v12 =	vadd.f32 v12, v9;
	v9 =	vimm.f32 $+Inf  }
0x64: {  	v26 =	vld [tilespmem:s26+$0xFFFFFFE0];
	v7 =	vmin.f32 v9, v7;
	v10 =	vmin.f32 v9, v10;
	v20 =	vadd.f32 v5, v20  }
0x65: {  	s0 =	simm.s32 $0x280;
	v5 =	vadd.f32 v16, v12;
	v12 =	vld [tilespmem:s25+$0xFFFFFF80];
	v6 =	vmin.f32 v7, v6;
	v16 =	vsub.f32 v3, v19  }
0x66: {  	v56 =	vld [tilespmem:s0+$0xFFFFFFC0];
	v22 =	vsub.f32 v4, v22;
	v6 =	vmin.f32 v6, v8;
	v18 =	vsub.f32 v2, v18  }
0x67: {  	v19 =	vld [tilespmem:s28+$0xFFFFFFE0];
	v7 =	vadd.f32 v21, v20;
	[tilespmem:s21+$0x10] =	vst v5;
	v6 =	vmin.f32 v6, v11;
	v11 =	vsub.f32 v4, v25  }
0x68: {  	v24 =	vmin.f32 v10, v24;
	v8 =	vsub.f32 v4, v13;
	v13 =	vsub.f32 v3, v17;
	v17 =	vld [tilespmem:s29+$0x20]  }
0x69: {  	v21 =	vsub.f32 v4, v23;
	v20 =	vld [tilespmem:s28+$0x20];
	v18 =	vmul.f32 v18, v18;
	[tilespmem:s21+$0x50] =	vst v7;
	v11 =	vmul.f32 v11, v11  }
0x6a: {  	v22 =	vmul.f32 v22, v22;
	v26 =	vsub.f32 v2, v26;
	v23 =	vld [tilespmem:s26+$0x60];
	v12 =	vsub.f32 v2, v12  }
0x6b: {  	v13 =	vmul.f32 v13, v13;
	v25 =	vld [tilespmem:s28+$0x60];
	v11 =	vadd.f32 v11, v18;
	v18 =	vsub.f32 v2, v28  }
0x6c: {  	v16 =	vmul.f32 v16, v16;
	v10 =	vsub.f32 v4, v19;
	v28 =	vld [tilespmem:s25+$0x40];
	v12 =	vmul.f32 v12, v12  }
0x6d: {  	v26 =	vmul.f32 v26, v26;
	v11 =	vadd.f32 v13, v11;
	v13 =	vmul.f32 v18, v18;
	v18 =	vld [tilespmem:s26+$0x20]  }
0x6e: {  	v10 =	vmul.f32 v10, v10;
	v17 =	vsub.f32 v3, v17;
	v12 =	vadd.f32 v14, v12;
	v14 =	vld [tilespmem:s29+$0x60]  }
0x6f: {  	v8 =	vmul.f32 v8, v8;
	v20 =	vsub.f32 v4, v20;
	[tilespmem:s21+$0xFFFFFFA0] =	vst v11;
	v13 =	vadd.f32 v22, v13;
	v22 =	vld [tilespmem:s29+$0xFFFFFFE0]  }
0x70: {  	v21 =	vmul.f32 v21, v21;
	v26 =	vadd.f32 v10, v26;
	v12 =	vadd.f32 v27, v12;
	v19 =	vld [tilespmem:s26+$0xFFFFFFB0]  }
0x71: {  	s30 =	simm.s32 $0xD980;
	v17 =	vmul.f32 v17, v17;
	v27 =	vsub.f32 v2, v28;
	v28 =	vsub.f32 v3, v30;
	v30 =	vld [tilespmem:s29+$0xFFFFFFB0]  }
0x72: {  	v25 =	vsub.f32 v4, v25;
	v20 =	vmul.f32 v20, v20;
	v13 =	vadd.f32 v15, v13;
	v15 =	vld [tilespmem:s28+$0xFFFFFFB0];
	[tilespmem:s30+$0xFFFFFF80] =	vst v12  }
0x73: {  	v23 =	vsub.f32 v2, v23;
	v11 =	vmin.f32 v9, v11;
	v27 =	vmul.f32 v27, v27;
	v31 =	vld [tilespmem:s23+$0xFFFFFF90]  }
0x74: {  	v18 =	vsub.f32 v2, v18;
	v6 =	vmin.f32 v6, v12;
	v12 =	vmul.f32 v29, v29;
	v32 =	vld [tilespmem:s22+$0xFFFFFF90]  }
0x75: {  	v23 =	vmul.f32 v23, v23;
	v28 =	vmul.f32 v28, v28;
	[tilespmem:s30+$0xFFFFFFC0] =	vst v13;
	v8 =	vadd.f32 v8, v27;
	v27 =	vld [tilespmem:s25+$0xFFFFFF90]  }
0x76: {  	v10 =	vsub.f32 v3, v14;
	v14 =	vld [tilespmem:s25+$0xFFFFFFD0];
	v18 =	vmul.f32 v18, v18;
	v12 =	vadd.f32 v21, v12  }
0x77: {  	v6 =	vmin.f32 v6, v13;
	v13 =	vld [tilespmem:s23+$0xFFFFFFD0];
	v22 =	vsub.f32 v3, v22;
	v19 =	vsub.f32 v2, v19  }
0x78: {  	s31 =	simm.s32 $0x4280;
	v21 =	vld [tilespmem:s24+$0x40];
	v8 =	vadd.f32 v16, v8;
	v16 =	vmul.f32 v25, v25;
	v18 =	vadd.f32 v20, v18  }
0x79: {  	v20 =	vld [tilespmem:s31+$0x40];
	v12 =	vadd.f32 v28, v12;
	v25 =	vmul.f32 v10, v10;
	v15 =	vsub.f32 v4, v15  }
0x7a: {  	v28 =	vld [tilespmem:s31+$0xFFFFFF80];
	v22 =	vmul.f32 v22, v22;
	v10 =	vsub.f32 v3, v32;
	v17 =	vadd.f32 v17, v18  }
0x7b: {  	v19 =	vmul.f32 v19, v19;
	v18 =	vld [tilespmem:s22+$0xFFFFFFD0];
	[tilespmem:s30+$0x0] =	vst v12;
	v29 =	vsub.f32 v4, v31;
	v16 =	vadd.f32 v16, v23  }
0x7c: {  	v22 =	vadd.f32 v22, v26;
	[tilespmem:s30+$0x40] =	vst v8;
	v15 =	vmul.f32 v15, v15;
	v14 =	vsub.f32 v2, v14;
	v54 =	vld [tilespmem:s22+$0x10]  }
0x7d: {  	v6 =	vmin.f32 v6, v12;
	v27 =	vsub.f32 v2, v27;
	v13 =	vsub.f32 v4, v13;
	v34 =	vld [tilespmem:s25+$0x50]  }
0x7e: {  	v31 =	vmul.f32 v10, v10;
	v10 =	vsub.f32 v3, v21;
	v21 =	vld [tilespmem:s25+$0x10];
	v29 =	vmul.f32 v29, v29  }
0x7f: {  	[tilespmem:s21+$0x20] =	vst v17;
	v35 =	vmin.f32 v11, v22;
	v16 =	vadd.f32 v25, v16;
	v11 =	vmin.f32 v6, v8;
	v8 =	vld [tilespmem:s23+$0x50]  }
0x80: {  	[tilespmem:s21+$0xFFFFFFE0] =	vst v22;
	v15 =	vadd.f32 v15, v19;
	v27 =	vmul.f32 v27, v27;
	v14 =	vmul.f32 v14, v14;
	v26 =	vld [tilespmem:s29+$0x30]  }
0x81: {  	v13 =	vmul.f32 v13, v13;
	v6 =	vmin.f32 v35, v17;
	v17 =	vld [tilespmem:s26+$0xFFFFFFF0];
	v20 =	vsub.f32 v4, v20  }
0x82: {  	v19 =	vld [tilespmem:s28+$0xFFFFFFF0];
	v27 =	vadd.f32 v29, v27;
	v12 =	vsub.f32 v3, v18  }
0x83: {  	v5 =	vmin.f32 v24, v5;
	v23 =	vld [tilespmem:s31+$0x0];
	v14 =	vadd.f32 v13, v14;
	v18 =	vsub.f32 v3, v30  }
0x84: {  	v5 =	vmin.f32 v5, v7;
	[tilespmem:s21+$0x60] =	vst v16;
	v29 =	vld [tilespmem:s23+$0x10];
	v32 =	vsub.f32 v3, v54;
	v22 =	vsub.f32 v2, v34  }
0x85: {  	v38 =	vld [tilespmem:s26+$0x70];
	v25 =	vadd.f32 v31, v27;
	v12 =	vmul.f32 v12, v12;
	v8 =	vsub.f32 v4, v8  }
0x86: {  	v27 =	vld [tilespmem:s22+$0x50];
	v21 =	vsub.f32 v2, v21;
	v18 =	vmul.f32 v18, v18;
	v13 =	vsub.f32 v3, v26  }
0x87: {  	v6 =	vmin.f32 v6, v16;
	v26 =	vld [tilespmem:s29+$0xFFFFFFF0];
	v17 =	vsub.f32 v2, v17;
	v19 =	vsub.f32 v4, v19  }
0x88: {  	[tilespmem:s30+$0xFFFFFF90] =	vst v25;
	v14 =	vadd.f32 v12, v14;
	v12 =	vmul.f32 v20, v20;
	v55 =	vadd.f32 v18, v15;
	v15 =	vld [tilespmem:s26+$0x30]  }
0x89: {  	v20 =	vmul.f32 v22, v22;
	v5 =	vmin.f32 v5, v25;
	v8 =	vmul.f32 v8, v8;
	v7 =	vld [tilespmem:s23+$0xFFFFFFA0]  }
0x8a: {  	v21 =	vmul.f32 v21, v21;
	v29 =	vsub.f32 v4, v29;
	v22 =	vld [tilespmem:s25+$0xFFFFFFA0];
	v38 =	vsub.f32 v2, v38  }
0x8b: {  	v24 =	vld [tilespmem:s22+$0xFFFFFFA0];
	[tilespmem:s30+$0xFFFFFFD0] =	vst v14;
	v5 =	vmin.f32 v5, v14;
	v14 =	vmul.f32 v19, v19;
	v8 =	vadd.f32 v8, v20  }
0x8c: {  	v20 =	vsub.f32 v4, v23;
	v25 =	vsub.f32 v3, v27;
	v27 =	vld [tilespmem:s31+$0xFFFFFFC0];
	v16 =	vmul.f32 v29, v29  }
0x8d: {  	v37 =	vld [tilespmem:s28+$0x30];
	v23 =	vsub.f32 v3, v33;
	v31 =	vsub.f32 v3, v26;
	v26 =	vmul.f32 v17, v17  }
0x8e: {  	v18 =	vld [tilespmem:s28+$0x70];
	v25 =	vmul.f32 v25, v25;
	v16 =	vadd.f32 v16, v21;
	v7 =	vsub.f32 v4, v7  }
0x8f: {  	v17 =	vld [tilespmem:s24+$0xFFFFFF80];
	v59 =	vsub.f32 v2, v15;
	v19 =	vsub.f32 v2, v22;
	v22 =	vmul.f32 v32, v32  }
0x90: {  	v21 =	vld [tilespmem:s0+$0xFFFFFF80];
	v24 =	vsub.f32 v3, v24;
	v62 =	vmul.f32 v31, v31;
	v57 =	vmul.f32 v7, v7  }
0x91: {  	v29 =	vld [tilespmem:s29+$0x70];
	v36 =	vmul.f32 v19, v19;
	v7 =	vadd.f32 v25, v8;
	v25 =	vsub.f32 v4, v27  }
0x92: {  	v30 =	vld [tilespmem:s25+$0xFFFFFFE0];
	v8 =	vadd.f32 v22, v16;
	v19 =	vmin.f32 v9, v55;
	v9 =	vadd.f32 v14, v26  }
0x93: {  	v31 =	vld [tilespmem:s0+$0x40];
	v14 =	vsub.f32 v4, v18;
	v24 =	vmul.f32 v24, v24;
	v16 =	vmul.f32 v20, v20  }
0x94: {  	v32 =	vld [tilespmem:s24+$0x0];
	v20 =	vsub.f32 v4, v28;
	v58 =	vsub.f32 v3, v17;
	v17 =	vmul.f32 v23, v23;
	[tilespmem:s30+$0x10] =	vst v8  }
0x95: {  	v27 =	vadd.f32 v57, v36;
	v26 =	vmul.f32 v25, v25;
	v21 =	vsub.f32 v2, v21;
	v60 =	vld [tilespmem:s22+$0x20]  }
0x96: {  	v22 =	vsub.f32 v3, v29;
	v23 =	vld [tilespmem:s23+$0xFFFFFFE0];
	v18 =	vmul.f32 v14, v14;
	v63 =	vmul.f32 v20, v20  }
0x97: {  	[tilespmem:s30+$0x50] =	vst v7;
	v14 =	vadd.f32 v24, v27;
	v27 =	vld [tilespmem:s23+$0x20];
	v61 =	vmul.f32 v21, v21;
	v21 =	vsub.f32 v2, v56  }
0x98: {  	v20 =	vmul.f32 v59, v59;
	v9 =	vadd.f32 v62, v9;
	v28 =	vmul.f32 v58, v58;
	v29 =	vld [tilespmem:s23+$0x60]  }
0x99: {  	s1 =	simm.s32 $0x20;
	s12 =	simm.s32 $0x8280;
	[tilespmem:s21+$0xFFFFFFB0] =	vst v55;
	v25 =	vld [tilespmem:s0+$0x0];
	v24 =	vsub.f32 v4, v37;
	v34 =	vmul.f32 v21, v21;
	v21 =	vsub.f32 v2, v30  }
0x9a: {  	s26 =	simm.s32 $0xD980;
	s28 =	simm.s32 $0x280;
	s29 =	simm.s32 $0x4280;
	v15 =	vld [tilespmem:s25+$0x60];
	[tilespmem:s30+$0xFFFFFFA0] =	vst v14;
	v35 =	vadd.f32 v63, v61;
	v30 =	vmul.f32 v38, v38;
	v33 =	vsub.f32 v3, v60  }
.LBB2_3:
0x9b: {  	s1 =	sadd.s32 $0x10, s1;
	v26 =	vadd.f32 v26, v34;
	v23 =	vsub.f32 v4, v23;
	v34 =	vld [tilespmem:s25+$0x20];
	s30 =	sadd.s32 $0x100, s30;
	v19 =	vmin.f32 v19, v9  }
0x9c: {  	v27 =	vsub.f32 v4, v27;
	v22 =	vmul.f32 v22, v22;
	p0 =	slt.u32 s1, $0x3F0;
	v28 =	vadd.f32 v28, v35;
	v35 =	vld [tilespmem:s22+$0x60]  }
0x9d: {  	v13 =	vmul.f32 v13, v13;
	v29 =	vsub.f32 v4, v29;
	v26 =	vadd.f32 v17, v26;
	v36 =	vld [tilespmem:s22+$0xFFFFFFE0]  }
0x9e: {  	v24 =	vmul.f32 v24, v24;
	v33 =	vmul.f32 v33, v33;
	v17 =	vsub.f32 v2, v31;
	v31 =	vld [tilespmem:s25+$0xFFFFFFB0]  }
0x9f: {  	v10 =	vmul.f32 v10, v10;
	v27 =	vmul.f32 v27, v27;
	[tilespmem:s30+$0xFFFFFF80] =	vst v28;
	v32 =	vsub.f32 v3, v32;
	v37 =	vld [tilespmem:s23+$0xFFFFFFB0]  }
0xa0: {  	v18 =	vadd.f32 v18, v30;
	v25 =	vsub.f32 v2, v25;
	v17 =	vmul.f32 v17, v17;
	v38 =	vld [tilespmem:s22+$0xFFFFFFB0]  }
0xa1: {  	v23 =	vmul.f32 v23, v23;
	v20 =	vadd.f32 v24, v20;
	v30 =	vld [tilespmem:s31+$0xFFFFFF90];
	v32 =	vmul.f32 v32, v32  }
0xa2: {  	s12 =	sadd.s32 $0x100, s12;
	v21 =	vmul.f32 v21, v21;
	v34 =	vsub.f32 v2, v34;
	v24 =	vld [tilespmem:s24+$0xFFFFFF90];
	v12 =	vadd.f32 v12, v17  }
0xa3: {  	v11 =	vmin.f32 v11, v28;
	v25 =	vmul.f32 v25, v25;
	v13 =	vadd.f32 v13, v20;
	v17 =	vld [tilespmem:s12+$0xFFFFFFC0];
	[tilespmem:s30+$0xFFFFFFC0] =	vst v26  }
0xa4: {  	v11 =	vmin.f32 v11, v26;
	v21 =	vadd.f32 v23, v21;
	v23 =	vsub.f32 v3, v35;
	v20 =	vld [tilespmem:s0+$0xFFFFFF90]  }
0xa5: {  	v18 =	vadd.f32 v22, v18;
	v12 =	vadd.f32 v10, v12;
	v10 =	vmul.f32 v34, v34;
	v26 =	vld [tilespmem:s0+$0xFFFFFFD0];
	[tilespmem:s21+$0x30] =	vst v13  }
0xa6: {  	v28 =	vmul.f32 v29, v29;
	v25 =	vadd.f32 v16, v25;
	v22 =	vld [tilespmem:s31+$0xFFFFFFD0];
	[tilespmem:s21+$0xFFFFFFF0] =	vst v9;
	v9 =	vmin.f32 v19, v13  }
0xa7: {  	s31 =	sadd.s32 $0x100, s31;
	v19 =	vsub.f32 v2, v31;
	v10 =	vadd.f32 v27, v10;
	v13 =	vld [tilespmem:s12+$0x40];
	[tilespmem:s21+$0x70] =	vst v18;
	v16 =	vmin.f32 v9, v18;
	s21 =	smov.u32 s26;
	s26 =	smov.u32 s30  }
0xa8: {  	v15 =	vsub.f32 v2, v15;
	v25 =	vadd.f32 v32, v25;
	v23 =	vmul.f32 v23, v23;
	v18 =	vld [tilespmem:s31+$0x40]  }
0xa9: {  	v24 =	vsub.f32 v3, v24;
	v19 =	vmul.f32 v19, v19;
	v27 =	vadd.f32 v33, v10;
	v9 =	vld [tilespmem:s31+$0xFFFFFF80]  }
0xaa: {  	v15 =	vmul.f32 v15, v15;
	v31 =	vsub.f32 v3, v36;
	v29 =	vld [tilespmem:s24+$0xFFFFFFD0];
	v26 =	vsub.f32 v2, v26;
	[tilespmem:s30+$0x0] =	vst v25  }
0xab: {  	v30 =	vsub.f32 v4, v30;
	v20 =	vsub.f32 v2, v20;
	v24 =	vmul.f32 v24, v24;
	v32 =	vld [tilespmem:s24+$0x10];
	[tilespmem:s30+$0x40] =	vst v12  }
0xac: {  	v15 =	vadd.f32 v28, v15;
	v10 =	vsub.f32 v3, v13;
	v33 =	vld [tilespmem:s0+$0x10];
	v13 =	vmul.f32 v31, v31  }
0xad: {  	v30 =	vmul.f32 v30, v30;
	v20 =	vmul.f32 v20, v20;
	v31 =	vsub.f32 v4, v37;
	v28 =	vld [tilespmem:s31+$0x0];
	[tilespmem:s21+$0x20] =	vst v27  }
0xae: {  	v22 =	vsub.f32 v4, v22;
	v26 =	vmul.f32 v26, v26;
	v13 =	vadd.f32 v13, v21;
	v21 =	vld [tilespmem:s22+$0x30]  }
0xaf: {  	v6 =	vmin.f32 v6, v14;
	v20 =	vadd.f32 v30, v20;
	v14 =	vmul.f32 v31, v31;
	v30 =	vld [tilespmem:s29+$0x10]  }
0xb0: {  	v15 =	vadd.f32 v23, v15;
	v31 =	vsub.f32 v3, v32;
	v32 =	vld [tilespmem:s0+$0x50];
	[tilespmem:s21+$0xFFFFFFE0] =	vst v13;
	v6 =	vmin.f32 v6, v13  }
0xb1: {  	v11 =	vmin.f32 v11, v25;
	v20 =	vadd.f32 v24, v20;
	v13 =	vmul.f32 v22, v22;
	v22 =	vld [tilespmem:s24+$0x50]  }
0xb2: {  	v11 =	vmin.f32 v11, v12;
	v23 =	vsub.f32 v3, v29;
	v6 =	vmin.f32 v6, v27;
	v24 =	vld [tilespmem:s29+$0x50];
	[tilespmem:s21+$0x60] =	vst v15  }
0xb3: {  	v12 =	vadd.f32 v13, v26;
	v6 =	vmin.f32 v6, v15;
	[tilespmem:s30+$0xFFFFFF90] =	vst v20;
	v25 =	vld [tilespmem:s25+$0xFFFFFFF0];
	v13 =	vsub.f32 v3, v21  }
0xb4: {  	v14 =	vadd.f32 v14, v19;
	v15 =	vmul.f32 v23, v23;
	v21 =	vsub.f32 v3, v38;
	v19 =	vld [tilespmem:s23+$0xFFFFFFF0]  }
0xb5: {  	v5 =	vmin.f32 v5, v8;
	v18 =	vsub.f32 v4, v18;
	v23 =	vsub.f32 v2, v32;
	v26 =	vld [tilespmem:s22+$0xFFFFFFF0]  }
0xb6: {  	v5 =	vmin.f32 v5, v7;
	v15 =	vadd.f32 v15, v12;
	v27 =	vsub.f32 v4, v30;
	v8 =	vld [tilespmem:s24+$0xFFFFFFA0]  }
0xb7: {  	s0 =	sadd.s32 $0x100, s0;
	v12 =	vmul.f32 v18, v18;
	v7 =	vld [tilespmem:s29+$0xFFFFFFA0];
	v18 =	vsub.f32 v4, v24;
	v23 =	vmul.f32 v23, v23  }
0xb8: {  	v5 =	vmin.f32 v5, v20;
	v22 =	vsub.f32 v3, v22;
	v20 =	vld [tilespmem:s28+$0xFFFFFFA0];
	[tilespmem:s30+$0xFFFFFFD0] =	vst v15;
	v24 =	vsub.f32 v2, v25  }
0xb9: {  	v29 =	vsub.f32 v2, v33;
	v21 =	vmul.f32 v21, v21;
	v25 =	vld [tilespmem:s31+$0xFFFFFFC0];
	v19 =	vsub.f32 v4, v19  }
0xba: {  	v22 =	vmul.f32 v22, v22;
	v30 =	vld [tilespmem:s28+$0xFFFFFFE0];
	v32 =	vsub.f32 v3, v26;
	v24 =	vmul.f32 v24, v24  }
0xbb: {  	v18 =	vmul.f32 v18, v18;
	v26 =	vld [tilespmem:s12+$0xFFFFFF80];
	v33 =	vsub.f32 v3, v8;
	v8 =	vmul.f32 v29, v29  }
0xbc: {  	v5 =	vmin.f32 v5, v15;
	v14 =	vadd.f32 v21, v14;
	v15 =	vmul.f32 v19, v19;
	v21 =	vld [tilespmem:s25+$0x30]  }
0xbd: {  	v19 =	vmul.f32 v27, v27;
	v18 =	vadd.f32 v18, v23;
	v7 =	vsub.f32 v4, v7;
	v23 =	vld [tilespmem:s23+$0x70]  }
0xbe: {  	v27 =	vsub.f32 v4, v28;
	v28 =	vmul.f32 v31, v31;
	v20 =	vsub.f32 v2, v20;
	[tilespmem:s21+$0xFFFFFFB0] =	vst v14;
	v29 =	vld [tilespmem:s22+$0x70];
	s22 =	smov.u32 s24;
	s24 =	smov.u32 s12  }
0xbf: {  	v17 =	vsub.f32 v3, v17;
	v8 =	vadd.f32 v19, v8;
	v34 =	vmul.f32 v7, v7;
	v31 =	vld [tilespmem:s0+$0xFFFFFFC0]  }
0xc0: {  	v7 =	vadd.f32 v22, v18;
	v20 =	vmul.f32 v20, v20;
	v35 =	vld [tilespmem:s0+$0xFFFFFF80];
	v36 =	vsub.f32 v3, v26  }
0xc1: {  	v17 =	vmul.f32 v17, v17;
	v18 =	vsub.f32 v4, v25;
	v8 =	vadd.f32 v28, v8;
	v25 =	vld [tilespmem:s23+$0x30];
	s23 =	smov.u32 s29;
	s29 =	smov.u32 s31  }
0xc2: {  	v19 =	vmin.f32 v16, v14;
	v37 =	vadd.f32 v15, v24;
	[tilespmem:s30+$0x50] =	vst v7;
	v38 =	vld [tilespmem:s25+$0x70];
	v14 =	vsub.f32 v4, v23;
	s25 =	smov.u32 s28;
	s28 =	smov.u32 s0  }
0xc3: {  	v15 =	vadd.f32 v34, v20;
	v20 =	vmul.f32 v33, v33;
	v21 =	vsub.f32 v2, v21;
	v23 =	vld [tilespmem:s23+$0xFFFFFFE0];
	[tilespmem:s30+$0x10] =	vst v8  }
0xc4: {  	v26 =	vmul.f32 v18, v18;
	v22 =	vsub.f32 v3, v29;
	v33 =	vld [tilespmem:s22+$0x20];
	v18 =	vmul.f32 v14, v14  }
0xc5: {  	v16 =	vmul.f32 v27, v27;
	v14 =	vadd.f32 v20, v15;
	v29 =	vsub.f32 v2, v35;
	v27 =	vld [tilespmem:s23+$0x20]  }
.Ltmp4:
0xc6: {  	v9 =	vsub.f32 v4, v9;
	v28 =	vmul.f32 v36, v36;
	v15 =	vld [tilespmem:s25+$0x60];
	v24 =	vsub.f32 v4, v25;
	(pc) =	sbr.rel @p0 .LBB2_3-.Ltmp4, $4  }
0xc7: {  	v32 =	vmul.f32 v32, v32;
	v31 =	vsub.f32 v2, v31;
	v35 =	vmul.f32 v29, v29;
	[tilespmem:s30+$0xFFFFFFA0] =	vst v14;
	v29 =	vld [tilespmem:s23+$0x60]  }
0xc8: {  	v36 =	vmul.f32 v9, v9;
	v20 =	vmul.f32 v21, v21;
	v38 =	vsub.f32 v2, v38;
	v25 =	vld [tilespmem:s0+$0x0]  }
0xc9: {  	v9 =	vadd.f32 v32, v37;
	v21 =	vsub.f32 v2, v30;
	v34 =	vmul.f32 v31, v31;
	v31 =	vld [tilespmem:s0+$0x40]  }
0xca: {  	v35 =	vadd.f32 v36, v35;
	v33 =	vsub.f32 v3, v33;
	v30 =	vmul.f32 v38, v38;
	v32 =	vld [tilespmem:s12+$0x0]  }
0xcb: {  	v26 =	vadd.f32 v26, v34;
	v23 =	vsub.f32 v4, v23;
	v22 =	vmul.f32 v22, v22  }
0xcc: {  	v19 =	vmin.f32 v19, v9;
	v13 =	vmul.f32 v13, v13;
	v24 =	vmul.f32 v24, v24  }
0xcd: {  	v27 =	vsub.f32 v4, v27;
	v36 =	vmul.f32 v10, v10;
	v21 =	vmul.f32 v21, v21  }
0xce: {  	v50 =	vld [tilespmem:s25+$0x20];
	v15 =	vsub.f32 v2, v15;
	v6 =	vmin.f32 v6, v14;
	v5 =	vmin.f32 v5, v8  }
0xcf: {  	v52 =	vld [tilespmem:s22+$0x60];
	v28 =	vadd.f32 v28, v35;
	v51 =	vsub.f32 v4, v29;
	v33 =	vmul.f32 v33, v33  }
0xd0: {  	v53 =	vld [tilespmem:s22+$0xFFFFFFE0];
	v18 =	vadd.f32 v18, v30;
	v5 =	vmin.f32 v5, v7;
	v17 =	vadd.f32 v17, v26  }
0xd1: {  	v37 =	vld [tilespmem:s25+$0xFFFFFFB0];
	v54 =	vsub.f32 v2, v25;
	v23 =	vmul.f32 v23, v23;
	v20 =	vadd.f32 v24, v20  }
0xd2: {  	s1 =	sadd.s32 $0x100, s30;
	v56 =	vld [tilespmem:s23+$0xFFFFFFB0];
	v15 =	vmul.f32 v15, v15;
	v31 =	vsub.f32 v2, v31;
	v38 =	vmin.f32 v11, v28  }
0xd3: {  	v24 =	vld [tilespmem:s22+$0xFFFFFFB0];
	[tilespmem:s1+$0xFFFFFF80] =	vst v28;
	v11 =	vadd.f32 v22, v18;
	v32 =	vsub.f32 v3, v32;
	v58 =	vmul.f32 v54, v54  }
0xd4: {  	v43 =	vmul.f32 v51, v51;
	v59 =	vld [tilespmem:s31+$0xFFFFFF90];
	v10 =	vadd.f32 v13, v20;
	v60 =	vadd.f32 v23, v21  }
0xd5: {  	v61 =	vld [tilespmem:s24+$0xFFFFFF90];
	v57 =	vsub.f32 v2, v50;
	v32 =	vmul.f32 v32, v32;
	v16 =	vadd.f32 v16, v58  }
0xd6: {  	[tilespmem:s1+$0xFFFFFFC0] =	vst v17;
	v39 =	vld [tilespmem:s0+$0xFFFFFF90];
	v55 =	vmul.f32 v31, v31;
	v62 =	vsub.f32 v3, v52;
	v45 =	vsub.f32 v2, v37  }
0xd7: {  	v27 =	vmul.f32 v27, v27;
	v40 =	vld [tilespmem:s0+$0xFFFFFFD0];
	v47 =	vsub.f32 v3, v53;
	v16 =	vadd.f32 v32, v16  }
0xd8: {  	v17 =	vmin.f32 v38, v17;
	v42 =	vld [tilespmem:s31+$0xFFFFFFD0];
	v15 =	vadd.f32 v43, v15;
	v12 =	vadd.f32 v12, v55  }
0xd9: {  	v46 =	vld [tilespmem:s24+$0xFFFFFFD0];
	v30 =	vsub.f32 v4, v56;
	v44 =	vmin.f32 v19, v10;
	v63 =	vmul.f32 v57, v57;
	[tilespmem:s1+$0x0] =	vst v16  }
0xda: {  	v21 =	vmul.f32 v62, v62;
	v24 =	vsub.f32 v3, v24;
	v29 =	vadd.f32 v36, v12;
	v48 =	vld [tilespmem:s24+$0x10]  }
0xdb: {  	v19 =	vmul.f32 v45, v45;
	v41 =	vadd.f32 v27, v63;
	v20 =	vsub.f32 v3, v61;
	v50 =	vld [tilespmem:s0+$0x10]  }
0xdc: {  	v30 =	vmul.f32 v30, v30;
	v28 =	vsub.f32 v2, v39;
	v49 =	vsub.f32 v4, v59;
	[tilespmem:s1+$0x40] =	vst v29;
	v54 =	vld [tilespmem:s29+$0x10]  }
0xdd: {  	v27 =	vmul.f32 v47, v47;
	v15 =	vadd.f32 v21, v15;
	v18 =	vsub.f32 v2, v40;
	v55 =	vld [tilespmem:s0+$0x50]  }
0xde: {  	v22 =	vadd.f32 v33, v41;
	v52 =	vmul.f32 v28, v28;
	v53 =	vmul.f32 v49, v49;
	v56 =	vld [tilespmem:s24+$0x50]  }
0xdf: {  	v12 =	vmin.f32 v44, v11;
	v23 =	vsub.f32 v4, v42;
	v13 =	vadd.f32 v27, v60;
	[tilespmem:s26+$0x60] =	vst v15;
	v59 =	vld [tilespmem:s29+$0x50]  }
0xe0: {  	v24 =	vmul.f32 v24, v24;
	v58 =	vsub.f32 v3, v46;
	[tilespmem:s26+$0x20] =	vst v22;
	v25 =	vadd.f32 v53, v52;
	v52 =	vld [tilespmem:s25+$0x70]  }
0xe1: {  	v41 =	vadd.f32 v30, v19;
	v18 =	vmul.f32 v18, v18;
	v57 =	vmul.f32 v23, v23;
	[tilespmem:s26+$0xFFFFFFE0] =	vst v13;
	v51 =	vld [tilespmem:s22+$0x30]  }
0xe2: {  	v16 =	vmin.f32 v17, v16;
	v20 =	vmul.f32 v20, v20;
	v61 =	vmul.f32 v58, v58;
	v60 =	vld [tilespmem:s25+$0xFFFFFFF0]  }
0xe3: {  	v63 =	vmin.f32 v6, v13;
	v13 =	vadd.f32 v24, v41;
	v14 =	vadd.f32 v57, v18;
	v62 =	vld [tilespmem:s23+$0xFFFFFFF0]  }
0xe4: {  	v36 =	vld [tilespmem:s22+$0xFFFFFFF0];
	v22 =	vmin.f32 v63, v22;
	v20 =	vadd.f32 v20, v25;
	v31 =	vsub.f32 v3, v48  }
0xe5: {  	v47 =	vld [tilespmem:s25+$0x30];
	v15 =	vmin.f32 v22, v15;
	v6 =	vsub.f32 v4, v54;
	v37 =	vsub.f32 v2, v50  }
0xe6: {  	v12 =	vmin.f32 v12, v13;
	v14 =	vadd.f32 v61, v14;
	v48 =	vld [tilespmem:s23+$0x70];
	[tilespmem:s1+$0xFFFFFF90] =	vst v20;
	v42 =	vsub.f32 v2, v55  }
0xe7: {  	v26 =	vsub.f32 v4, v59;
	v38 =	vld [tilespmem:s29+$0xFFFFFFA0];
	v32 =	vmul.f32 v37, v37;
	v40 =	vmul.f32 v6, v6  }
0xe8: {  	v28 =	vsub.f32 v3, v56;
	v39 =	vld [tilespmem:s28+$0xFFFFFFA0];
	v45 =	vmul.f32 v31, v31;
	v17 =	vsub.f32 v3, v51  }
0xe9: {  	v43 =	vld [tilespmem:s24+$0xFFFFFFA0];
	[tilespmem:s1+$0xFFFFFFD0] =	vst v14;
	v19 =	vmul.f32 v42, v42;
	v25 =	vsub.f32 v2, v60;
	v46 =	vadd.f32 v40, v32  }
0xea: {  	v44 =	vld [tilespmem:s28+$0xFFFFFFE0];
	v21 =	vsub.f32 v4, v62;
	v26 =	vmul.f32 v26, v26;
	v51 =	vsub.f32 v3, v36  }
0xeb: {  	v6 =	vmin.f32 v16, v29;
	v58 =	vld [tilespmem:s29+$0xFFFFFFE0];
	v61 =	vsub.f32 v2, v47;
	v30 =	vadd.f32 v45, v46  }
0xec: {  	v50 =	vld [tilespmem:s23+$0x30];
	v28 =	vmul.f32 v28, v28;
	v36 =	vsub.f32 v2, v52;
	v19 =	vadd.f32 v26, v19  }
0xed: {  	v62 =	vld [tilespmem:s24+$0xFFFFFFE0];
	v25 =	vmul.f32 v25, v25;
	v59 =	vsub.f32 v4, v48;
	v18 =	vsub.f32 v4, v38;
	[tilespmem:s1+$0x10] =	vst v30  }
0xee: {  	v55 =	vmul.f32 v21, v21;
	v49 =	vsub.f32 v2, v39;
	v19 =	vadd.f32 v28, v19;
	v54 =	vld [tilespmem:s29+$0x20]  }
0xef: {  	v22 =	vmul.f32 v61, v61;
	v27 =	vsub.f32 v3, v43;
	v29 =	vsub.f32 v2, v44;
	v56 =	vld [tilespmem:s28+$0x20]  }
0xf0: {  	v26 =	vsub.f32 v4, v58;
	v18 =	vmul.f32 v18, v18;
	v53 =	vmul.f32 v49, v49;
	v60 =	vld [tilespmem:s24+$0x20];
	[tilespmem:s1+$0x50] =	vst v19  }
0xf1: {  	v8 =	vsub.f32 v4, v50;
	v17 =	vmul.f32 v17, v17;
	v57 =	vmul.f32 v27, v27;
	v63 =	vld [tilespmem:s29+$0x60]  }
0xf2: {  	v7 =	vld [tilespmem:s28+$0x60];
	v26 =	vmul.f32 v26, v26;
	v29 =	vmul.f32 v29, v29;
	v18 =	vadd.f32 v18, v53  }
0xf3: {  	v16 =	vadd.f32 v55, v25;
	v23 =	vmul.f32 v59, v59;
	v24 =	vsub.f32 v3, v62;
	v37 =	vld [tilespmem:s24+$0x60]  }
0xf4: {  	v39 =	vmul.f32 v51, v51;
	v26 =	vadd.f32 v26, v29;
	v18 =	vadd.f32 v57, v18  }
0xf5: {  	v38 =	vld [tilespmem:s22+$0x70];
	v8 =	vmul.f32 v8, v8;
	v31 =	vsub.f32 v4, v54;
	v21 =	vsub.f32 v2, v56  }
0xf6: {  	v24 =	vmul.f32 v24, v24;
	v25 =	vsub.f32 v3, v60;
	v27 =	vsub.f32 v4, v63  }
0xf7: {  	[tilespmem:s1+$0xFFFFFFA0] =	vst v18;
	v7 =	vsub.f32 v2, v7;
	v31 =	vmul.f32 v31, v31;
	v21 =	vmul.f32 v21, v21  }
0xf8: {  	v24 =	vadd.f32 v24, v26;
	v32 =	vsub.f32 v3, v37;
	v25 =	vmul.f32 v25, v25;
	v40 =	vld [tilespmem:s28+$0xFFFFFFB0]  }
0xf9: {  	v41 =	vld [tilespmem:s29+$0xFFFFFFB0];
	v27 =	vmul.f32 v27, v27;
	v7 =	vmul.f32 v7, v7;
	v21 =	vadd.f32 v31, v21  }
0xfa: {  	v28 =	vmul.f32 v36, v36;
	v8 =	vadd.f32 v8, v22;
	v42 =	vsub.f32 v3, v38;
	v43 =	vld [tilespmem:s24+$0xFFFFFFB0];
	[tilespmem:s1+$0xFFFFFFE0] =	vst v24  }
0xfb: {  	v32 =	vmul.f32 v32, v32;
	v45 =	vld [tilespmem:s28+$0xFFFFFFF0];
	v7 =	vadd.f32 v27, v7;
	v21 =	vadd.f32 v25, v21  }
0xfc: {  	v5 =	vmin.f32 v5, v20;
	v16 =	vadd.f32 v39, v16;
	v23 =	vadd.f32 v23, v28;
	v46 =	vld [tilespmem:s29+$0xFFFFFFF0]  }
0xfd: {  	v8 =	vadd.f32 v17, v8;
	v26 =	vmul.f32 v42, v42;
	v47 =	vld [tilespmem:s24+$0xFFFFFFF0];
	v7 =	vadd.f32 v32, v7;
	[tilespmem:s1+$0x20] =	vst v21  }
0xfe: {  	v5 =	vmin.f32 v5, v14;
	(xrf1) =	vsort.ascd.msk.f32 $0xffff, v6, v6;
	v12 =	vmin.f32 v12, v16;
	v50 =	vld [tilespmem:s28+$0x30]  }
0xff: {  	v12 =	vmin.f32 v12, v8;
	v15 =	vmin.f32 v15, v18;
	v48 =	vadd.f32 v26, v23;
	[tilespmem:s1+$0x60] =	vst v7;
	v53 =	vld [tilespmem:s29+$0x30]  }
0x100: {  	v15 =	vmin.f32 v15, v24;
	v49 =	vsub.f32 v2, v40;
	v51 =	vsub.f32 v4, v41;
	v52 =	vld [tilespmem:s29+$0x70]  }
0x101: {  	v12 =	vmin.f32 v12, v48;
	v56 =	vsub.f32 v3, v43;
	v22 =	vsub.f32 v2, v45;
	v55 =	vld [tilespmem:s28+$0x70]  }
0x102: {  	v57 =	vsub.f32 v4, v46;
	v44 =	vld [tilespmem:s24+$0x30];
	v23 =	vmul.f32 v49, v49;
	v14 =	vmul.f32 v51, v51  }
0x103: {  	v15 =	vmin.f32 v15, v21;
	v17 =	vsub.f32 v3, v47;
	v58 =	vld [tilespmem:s24+$0x70];
	v22 =	vmul.f32 v22, v22  }
0x104: {  	v14 =	vadd.f32 v14, v23;
	v23 =	vmul.f32 v57, v57;
	v26 =	vsub.f32 v2, v50  }
0x105: {  	v21 =	vmul.f32 v56, v56;
	v25 =	vsub.f32 v4, v52;
	v4 =	vsub.f32 v4, v53  }
0x106: {  	v17 =	vmul.f32 v17, v17;
	v22 =	vadd.f32 v23, v22;
	v2 =	vsub.f32 v2, v55  }
0x107: {  	v54 =	vsub.f32 v3, v44;
	v60 =	vmul.f32 v26, v26;
	v4 =	vmul.f32 v4, v4  }
0x108: {  	v3 =	vsub.f32 v3, v58;
	v59 =	vmul.f32 v25, v25;
	v2 =	vmul.f32 v2, v2  }
0x109: {  	v14 =	vadd.f32 v21, v14;
	v61 =	vmul.f32 v54, v54;
	v4 =	vadd.f32 v4, v60  }
0x10a: {  	v17 =	vadd.f32 v17, v22;
	v3 =	vmul.f32 v3, v3;
	v2 =	vadd.f32 v59, v2  }
0x10b: {  	v5 =	vmin.f32 v5, v30;
	v12 =	vmin.f32 v12, v14;
	v4 =	vadd.f32 v61, v4  }
0x10c: {  	v5 =	vmin.f32 v5, v19;
	v12 =	vmin.f32 v12, v17;
	v2 =	vadd.f32 v3, v2  }
0x10d: {  	(xrf1) =	vsort.ascd.msk.f32 $0xffff, v5, v5;
	v3 =	vmin.f32 v15, v7;
	v6 =	vmin.f32 v12, v4  }
0x10e: {  	(xrf1) =	vsort.ascd.msk.f32 $0xffff, v3, v3;
	v5 =	vmin.f32 v6, v2  }
0x10f: {  	(xrf1) =	vsort.ascd.msk.f32 $0xffff, v5, v5;
	_ =	sdelay $0xa  }
0x110: {  	v3, _, _ =	vpop (xrf1)  }
0x111: {  	v5, _, _ =	vpop (xrf1)  }
0x112: {  	v5 =	vperm.xlane v5, v1;
	v6, _, _ =	vpop (xrf1)  }
0x113: {  	v7, _, _ =	vpop (xrf1)  }
0x114: {  	v62 =	vmin.f32 v3, v5;
	v7 =	vperm.xlane v7, v1  }
0x115: {  	v3 =	vmax.f32 v3, v5;
	(xrf1) =	vsort.ascd.msk.f32 $0xffff, v62, v62  }
0x116: {  	(xrf1) =	vsort.ascd.msk.f32 $0xffff, v3, v3;
	v3 =	vmin.f32 v6, v7  }
0x117: {  	(xrf1) =	vsort.ascd.msk.f32 $0xffff, v3, v3;
	v3 =	vmax.f32 v6, v7  }
0x118: {  	(xrf1) =	vsort.ascd.msk.f32 $0xffff, v3, v3;
	_ =	sdelay $0xa  }
0x119: {  	v3, _, _ =	vpop (xrf1)  }
0x11a: {  	[tilespmem:s21+$0xFFFFFFF0] =	vst v9;
	v5, _, _ =	vpop (xrf1)  }
0x11b: {  	[tilespmem:s21+$0x70] =	vst v11;
	v6, _, _ =	vpop (xrf1)  }
0x11c: {  	[tilespmem:s21+$0x30] =	vst v10;
	v7, _, _ =	vpop (xrf1)  }
0x11d: {  	[tilespmem:s26+$0xFFFFFFB0] =	vst v13;
	v6 =	vperm.xlane v6, v1;
	v7 =	vperm.xlane v7, v1  }
0x11e: {  	[tilespmem:s26+$0xFFFFFFF0] =	vst v16  }
0x11f: {  	[tilespmem:s26+$0x30] =	vst v8;
	v5 =	vmin.f32 v5, v6;
	v3 =	vmin.f32 v3, v7  }
0x120: {  	[tilespmem:s26+$0x70] =	vst v48;
	v3 =	vmax.f32 v3, v5  }
0x121: {  	[tilespmem:s1+$0xFFFFFFB0] =	vst v14;
	(xrf0) =	vmax.scan.msk.f32 $0xffff, v3  }
0x122: {  	[tilespmem:s1+$0xFFFFFFF0] =	vst v17  }
0x123: {  	[tilespmem:s1+$0x30] =	vst v4  }
0x124: {  	s28 =	simm.s32 $0xD820;
	[tilespmem:s1+$0x70] =	vst v2  }
0x125: {  	v3 =	vld [tilespmem:s28+$0xFFFFFFE0];
	_ =	sdelay $0x1  }
0x126: {  	v2, _, _ =	vpop (xrf0)  }
0x127: {  	v4 =	vld [tilespmem:s28+$0xFFFFFFF0];
	v2 =	vbroadcast v2, $0xF  }
0x128: {  	v5 =	vld [tilespmem:s28+$0x0]  }
0x129: {  	vm0 =	vle.f32 v3, v2;
	v3 =	vld [tilespmem:s28+$0x10]  }
0x12a: {  	s29 =	simm.s32 $0xD860  }
0x12b: {  	v7 =	vld [tilespmem:s29+$0xFFFFFFE0];
	v6 =	vmpcnt.ones.xlane vm0  }
0x12c: {  	vm1 =	vle.f32 v4, v2;
	v4 =	vld [tilespmem:s29+$0xFFFFFFF0]  }
0x12d: {  	vm2 =	vle.f32 v5, v2;
	v5 =	vld [tilespmem:s29+$0x0];
	(v2sf) =	vpush v6, $0x0;
	v6 =	vmpcnt.ones.xlane vm1  }
0x12e: {  	v8 =	vmpcnt.ones.xlane vm2;
	vm3 =	vle.f32 v3, v2;
	v3 =	vld [tilespmem:s29+$0x10]  }
0x12f: {  	(v2sf) =	vpush v6, $0x0;
	v63 =	vmpcnt.ones.xlane vm3  }
0x130: {  	vm4 =	vle.f32 v7, v2;
	(v2sf) =	vpush v8, $0x0  }
0x131: {  	v6 =	vmpcnt.ones.xlane vm4;
	vm7 =	vle.f32 v4, v2;
	(v2sf) =	vpush v63, $0x0  }
0x132: {  	vm10 =	vle.f32 v5, v2;
	v4 =	vmpcnt.ones.xlane vm7  }
0x133: {  	v7 =	vmpcnt.ones.xlane vm10;
	(v2sf) =	vpush v6, $0x0;
	vm5 =	vle.f32 v3, v2  }
0x134: {  	s30 =	simm.s32 $0xD8A0;
	(v2sf) =	vpush v4, $0x0;
	v6 =	vmpcnt.ones.xlane vm5  }
0x135: {  	v5 =	vld [tilespmem:s30+$0xFFFFFFE0];
	(v2sf) =	vpush v7, $0x0  }
0x136: {  	(v2sf) =	vpush v6, $0x0  }
0x137: {  	v3 =	vld [tilespmem:s30+$0xFFFFFFF0]  }
0x138: {  	vm11 =	vmmov vm0;
	vm0 =	vmmov vm1;
	vm2 =	vmmov vm2;
	v8 =	vld [tilespmem:s30+$0x0]  }
0x139: {  	vm8 =	vmmov vm0;
	vm9 =	vmmov vm2;
	vm3 =	vmmov vm3;
	v4 =	vld [tilespmem:s30+$0x10]  }
0x13a: {  	vm7 =	vmmov vm7;
	vm6 =	vmmov vm3;
	vm0 =	vle.f32 v5, v2  }
0x13b: {  	s12 =	simm.s32 $0x0;
	s31 =	simm.s32 $0x10;
	vm1 =	vmmov vm5;
	vm5 =	vmmov vm4;
	vm4 =	vmmov vm10  }
0x13c: {  	s21 =	simm.s32 $0xD8E0;
	s0 =	simm.s32 $0x0;
	s23 =	simm.s32 $0x30;
	v5 =	vmpcnt.ones.xlane vm0;
	v6 =	vor.u32 s12, v0;
	vm2 =	vle.f32 v3, v2  }
0x13d: {  	s22 =	simm.s32 $0x20;
	s1 =	simm.s32 $0x8;
	vm3 =	vle.f32 v8, v2;
	[tilespmem:s12+$0x11800] =	vst.msk vm11, v6;
	v3 =	vor.u32 s31, v0;
	v6 =	vmpcnt.ones.xlane vm2;
	s24 =	spop (v2sf)  }
.LBB2_5:
0x13e: {  	v7 =	vld [tilespmem:s21+$0xFFFFFFE0];
	s1 =	sadd.s32 $0x4, s1;
	v8 =	vmpcnt.ones.xlane vm3;
	vm10 =	vle.f32 v4, v2;
	(v2sf) =	vpush v5, $0x0;
	s12 =	sadd.s32 s12, s24;
	s24 =	spop (v2sf)  }
0x13f: {  	v9 =	vld [tilespmem:s21+$0xFFFFFFF0];
	p0 =	slt.u32 s1, $0x3FC;
	v5 =	vmpcnt.ones.xlane vm10;
	(v2sf) =	vpush v6, $0x0;
	[tilespmem:s12+$0x11800] =	vst.msk vm8, v3;
	s12 =	sadd.s32 s12, s24;
	v3 =	vor.u32 s22, v0;
	s22 =	spop (v2sf)  }
0x140: {  	s0 =	sadd.s32 $0x40, s0;
	vm8 =	vmmov vm7;
	v10 =	vld [tilespmem:s21+$0x0];
	(v2sf) =	vpush v8, $0x0;
	[tilespmem:s12+$0x11800] =	vst.msk vm9, v3;
	s12 =	sadd.s32 s12, s22;
	v3 =	vor.u32 s23, v0;
	s22 =	spop (v2sf)  }
.Ltmp5:
0x141: {  	v4 =	vld [tilespmem:s21+$0x10];
	(v2sf) =	vpush v5, $0x0;
	v5 =	vor.u32 s0, v0;
	[tilespmem:s12+$0x11800] =	vst.msk vm6, v3;
	s12 =	sadd.s32 s12, s22;
	vm6 =	vmmov vm1;
	(pc) =	sbr.rel @p0 .LBB2_5-.Ltmp5, $4  }
0x142: {  	vm7 =	vmmov vm2;
	vm1 =	vmmov vm10;
	[tilespmem:s12+$0x11800] =	vst.msk vm5, v5;
	vm5 =	vmmov vm0  }
0x143: {  	vm9 =	vmmov vm4;
	vm4 =	vmmov vm3;
	vm0 =	vle.f32 v7, v2  }
0x144: {  	s23 =	sadd.s32 $0x10, s0;
	s22 =	sadd.s32 $0x20, s0;
	v5 =	vmpcnt.ones.xlane vm0;
	vm2 =	vle.f32 v9, v2  }
0x145: {  	s21 =	sadd.s32 $0x40, s21;
	v3 =	vor.u32 s23, v0;
	s23 =	sadd.s32 $0x30, s0;
	v6 =	vmpcnt.ones.xlane vm2;
	vm3 =	vle.f32 v10, v2;
	s24 =	spop (v2sf)  }
0x146: {  	v7 =	vmpcnt.ones.xlane vm3;
	vm10 =	vle.f32 v4, v2;
	(v2sf) =	vpush v5, $0x0  }
0x147: {  	v2 =	vmpcnt.ones.xlane vm10;
	(v2sf) =	vpush v6, $0x0  }
0x148: {  	(v2sf) =	vpush v7, $0x0  }
0x149: {  	(v2sf) =	vpush v2, $0x0;
	_ =	sdelay $0x4  }
0x14a: {  	s1 =	spop (v2sf);
	s12 =	sadd.s32 s12, s24  }
0x14b: {  	s21 =	spop (v2sf);
	s1 =	sadd.s32 s12, s1  }
0x14c: {  	s13 =	spop (v2sf);
	s21 =	sadd.s32 s1, s21  }
0x14d: {  	s24 =	sadd.s32 s21, s13;
	s25 =	spop (v2sf)  }
0x14e: {  	s25 =	sadd.s32 s24, s25;
	s26 =	spop (v2sf)  }
0x14f: {  	s26 =	sadd.s32 s25, s26;
	s28 =	spop (v2sf)  }
0x150: {  	s28 =	sadd.s32 s26, s28;
	s29 =	spop (v2sf)  }
0x151: {  	s29 =	sadd.s32 s28, s29;
	s30 =	spop (v2sf)  }
0x152: {  	s30 =	sadd.s32 s29, s30;
	s31 =	spop (v2sf)  }
0x153: {  	s31 =	sadd.s32 s30, s31;
	s13 =	spop (v2sf)  }
0x154: {  	[tilespmem:s12+$0x11800] =	vst.msk vm8, v3;
	v2 =	vor.u32 s22, v0;
	s12 =	sadd.s32 s31, s13;
	s22 =	spop (v2sf)  }
0x155: {  	[tilespmem:s1+$0x11800] =	vst.msk vm9, v2;
	v2 =	vor.u32 s23, v0;
	s1 =	sadd.s32 $0x40, s0;
	s0 =	sadd.s32 s12, s22  }
0x156: {  	v3 =	vor.u32 s1, v0;
	[tilespmem:s21+$0x11800] =	vst.msk vm6, v2;
	s23 =	sadd.s32 $0x10, s1;
	s22 =	sadd.s32 $0xF, s0  }
0x157: {  	vm12 =	vmmov vm7;
	s21 =	sadd.s32 $0x20, s1;
	[tilespmem:s24+$0x11800] =	vst.msk vm5, v3;
	v2 =	vor.u32 s23, v0;
	s23 =	sadd.s32 $0x40, s1;
	s24 =	sand.u32 $0xF, s22  }
0x158: {  	[tilespmem:s25+$0x11800] =	vst.msk vm12, v2;
	s25 =	sshra.s32 s22, $0x1F;
	p1 =	slt.s32 s22, $0x1;
	p0 =	sne.s32 s24, $0x0  }
0x159: {  	s13 =	sadd.s32 $0x30, s1;
	s1 =	sshrl.u32 s25, $0x1C;
	p0 =	por !p1, !p0  }
0x15a: {  	v2 =	vor.u32 s21, v0;
	s21 =	simm.s32 $0x1;
	s1 =	sadd.s32 s1, s22;
	p0 =	por !p0, !p0  }
0x15b: {  	s1 =	sshra.s32 s1, $0x4;
	s21 =	simm.s32 @!p0 $0x0  }
0x15c: {  	vm4 =	vmmov vm4;
	s1 =	ssub.s32 s1, s21  }
0x15d: {  	vm1 =	vmmov vm1;
	[tilespmem:s26+$0x11800] =	vst.msk vm4, v2;
	v2 =	vor.u32 s13, v0;
	p0 =	slt.s32 s1, $0x1  }
.Ltmp6:
0x15e: {  	vm0 =	vmmov vm0;
	vm13 =	vmmov vm2;
	s26 =	sadd.s32 $0x10, s23;
	[tilespmem:s28+$0x11800] =	vst.msk vm1, v2;
	v2 =	vor.u32 s23, v0;
	(pc) =	sbr.rel @p0 .LBB2_7-.Ltmp6, $4  }
0x15f: {  	vm14 =	vmmov vm3;
	vm1 =	vmmov vm13;
	[tilespmem:s29+$0x11800] =	vst.msk vm0, v2;
	v2 =	vor.u32 s26, v0;
	s29 =	sadd.s32 $0x20, s23  }
0x160: {  	vm15 =	vmmov vm10;
	vm0 =	vmmov vm14;
	[tilespmem:s30+$0x11800] =	vst.msk vm1, v2;
	v2 =	vor.u32 s29, v0;
	s30 =	sadd.s32 $0x30, s23  }
0x161: {  	vm1 =	vmmov vm15;
	[tilespmem:s31+$0x11800] =	vst.msk vm0, v2;
	v2 =	vor.u32 s30, v0  }
0x162: {  	[tilespmem:s12+$0x11800] =	vst.msk vm1, v2  }
0x163: {  	p1 =	sne.s32 s1, $0x1  }
.Ltmp7:
0x164: {  	_ = 	snop;
	(pc) =	sbr.rel @!p1 .LBB2_9-.Ltmp7, $3  }
0x165: {  	_ =	sdelay $0x1  }
0x166: {  	s12 =	simm.s32 $0x11800  }
0x167: {  	v4 =	vmov s0;
	v3 =	vimm.f32 $+Inf;
	v2 =	vimm.s32 $0x7FFFFFFF;
	s0 =	simm.s32 $0x0;
	p0 =	por $0x0, $0x0;
	v7 =	vld [tilespmem:s12+$0x0];
	s12 =	sadd.s32 $0xFFFFFFFF, s1  }
0x168: {  	_ = 	snop  }
0x169: {  	v5 =	vor.u32 s0, v0  }
0x16a: {  	vm0 =	vlt.s32 v5, v4;
	_ =	sdelay $0x5  }
0x16b: {  	v5 =	vld.idx.msk [tilespmem:v7+s17+$0x0], vm0;
	_ =	sdelay $0x4  }
0x16c: {  	v6 =	vnsel vm0, $0x7FFFFFFF, v7;
	v5 =	vnsel vm0, $0x7F800000, v5  }
0x16d: {  	(xrf1) =	vsort.ascd.msk.f32 $0xffff, v5, v6;
	_ =	sdelay $0xd  }
0x16e: {  	v5, v6, _ =	vpop (xrf1)  }
0x16f: {  	v5 =	vperm.xlane v5, v1;
	v6 =	vperm.xlane v6, v1;
	_ =	sdelay $0x1  }
0x170: {  	vm15 =	veq.f32 v3, v5;
	vm1 =	vlt.s32 v2, v6  }
0x171: {  	vm2 =	vlt.f32 v3, v5;
	vm0 =	vmand vm15, vm1  }
0x172: {  	vm0 =	vmor vm2, vm0  }
0x173: {  	p1 =	sne.s32 s12, $0x1;
	v5 =	vsel vm0, v3, v5;
	v6 =	vsel vm0, v2, v6  }
.Ltmp8:
0x174: {  	(xrf1) =	vsort.ascd.msk.f32 $0xffff, v5, v6;
	(pc) =	sbr.rel @!p1 .LBB2_11-.Ltmp8, $3  }
0x175: {  	_ =	sdelay $0x1  }
0x176: {  	s1 =	simm.s32 $0x11810  }
0x177: {  	s12 =	sadd.s32 $0xFFFFFFFF, s12;
	s0 =	simm.s32 $0x10;
	p0 =	por $0x1, $0x1;
	v7 =	vld [tilespmem:s1+$0x0];
	v6 =	vimm.f32 $+Inf;
	v5 =	vimm.s32 $0x7FFFFFFF  }
.LBB2_12:
0x178: {  	p1 =	sne.s32 s12, $0x1;
	v8 =	vor.u32 s0, v0  }
0x179: {  	vm0 =	vlt.s32 v8, v4;
	_ =	sdelay $0x5  }
0x17a: {  	v8 =	vld.idx.msk [tilespmem:v7+s17+$0x0], vm0;
	_ =	sdelay $0x1  }
0x17b: {  	v9, v10, _ =	vpop (xrf1)  }
0x17c: {  	v9 =	vperm.xlane v9, v1;
	v10 =	vperm.xlane v10, v1;
	_ =	sdelay $0x1  }
0x17d: {  	v7 =	vnsel vm0, $0x7FFFFFFF, v7;
	vm1 =	veq.f32 v6, v9;
	vm2 =	vlt.s32 v5, v10  }
0x17e: {  	v8 =	vnsel vm0, $0x7F800000, v8;
	vm0 =	vlt.f32 v6, v9;
	vm1 =	vmand vm1, vm2  }
0x17f: {  	(xrf1) =	vsort.ascd.msk.f32 $0xffff, v8, v7;
	vm0 =	vmor vm0, vm1  }
0x180: {  	v7 =	vsel vm0, v6, v9;
	v6 =	vsel vm0, v9, v6;
	v8 =	vsel vm0, v10, v5  }
0x181: {  	v5 =	vsel vm0, v5, v10;
	(xrf1) =	vsort.ascd.msk.f32 $0xffff, v6, v8  }
0x182: {  	(xrf1) =	vsort.ascd.msk.f32 $0xffff, v7, v5;
	_ =	sdelay $0xa  }
0x183: {  	v5, v6, _ =	vpop (xrf1)  }
0x184: {  	v7 =	vperm.xlane v5, v1;
	v8 =	vperm.xlane v6, v1  }
0x185: {  	v9, v10, _ =	vpop (xrf1)  }
0x186: {  	vm0 =	veq.f32 v9, v7;
	vm1 =	vlt.s32 v10, v8;
	v6, v5, _ =	vpop (xrf1)  }
0x187: {  	vm2 =	vlt.f32 v9, v7;
	vm0 =	vmand vm0, vm1  }
0x188: {  	vm0 =	vmor vm2, vm0  }
0x189: {  	v7 =	vsel vm0, v9, v7;
	v8 =	vsel vm0, v10, v8  }
.Ltmp9:
0x18a: {  	(xrf1) =	vsort.ascd.msk.f32 $0xffff, v7, v8;
	(pc) =	sbr.rel @p1 .LBB2_12-.Ltmp9, $3  }
0x18b: {  	_ =	sdelay $0x1  }
0x18c: {  	s1 =	sadd.s32 $0x10, s1  }
0x18d: {  	s12 =	sadd.s32 $0xFFFFFFFF, s12;
	s0 =	sadd.s32 $0x10, s0;
	v7 =	vld [tilespmem:s1+$0x0]  }
.LBB2_13:
0x18e: {  	_ =	sdelay $0x1  }
0x18f: {  	v8 =	vor.u32 s0, v0  }
0x190: {  	vm0 =	vlt.s32 v8, v4;
	_ =	sdelay $0x5  }
0x191: {  	v4 =	vld.idx.msk [tilespmem:v7+s17+$0x0], vm0;
	v8, v9, _ =	vpop @p0 (xrf1)  }
0x192: {  	v8 =	vperm.xlane @p0 v8, v1;
	v9 =	vperm.xlane @p0 v9, v1;
	_ =	sdelay $0x1  }
0x193: {  	vm1 =	veq.f32 @p0 v6, v8;
	vm2 =	vlt.s32 @p0 v5, v9  }
0x194: {  	vm1 =	vmand @p0 vm1, vm2;
	vm2 =	vlt.f32 @p0 v6, v8  }
0x195: {  	v61 =	vnsel vm0, $0x7FFFFFFF, v7;
	v4 =	vnsel vm0, $0x7F800000, v4;
	vm0 =	vmor @p0 vm2, vm1  }
0x196: {  	(xrf1) =	vsort.ascd.msk.f32 $0xffff, v4, v61;
	v4 =	vsel @p0 vm0, v8, v6;
	v7 =	vsel @p0 vm0, v9, v5  }
0x197: {  	(xrf1) =	vsort.ascd.msk.f32 @p0 $0xffff, v4, v7;
	_ =	sdelay $0xc  }
0x198: {  	v4, v7, _ =	vpop (xrf1)  }
0x199: {  	v4 =	vperm.xlane v4, v1;
	v7 =	vperm.xlane v7, v1;
	v10, v11, _ =	vpop @p0 (xrf1)  }
0x19a: {  	v10 =	vpsel p0, v10, v3;
	v11 =	vpsel p0, v11, v2  }
0x19b: {  	vm9 =	veq.f32 v10, v4;
	vm10 =	vlt.s32 v11, v7  }
0x19c: {  	vm11 =	vlt.f32 v10, v4;
	vm1 =	vmand vm9, vm10  }
0x19d: {  	v6 =	vsel @p0 vm0, v6, v8;
	v5 =	vsel @p0 vm0, v5, v9;
	vm12 =	vmor vm11, vm1  }
0x19e: {  	(xrf1) =	vsort.ascd.msk.f32 @p0 $0xffff, v6, v5;
	v4 =	vsel vm12, v10, v4;
	v5 =	vsel vm12, v11, v7  }
0x19f: {  	(xrf1) =	vsort.ascd.msk.f32 $0xffff, v4, v5;
	_ =	sdelay $0xc  }
0x1a0: {  	v4, v5, _ =	vpop @p0 (xrf1)  }
0x1a1: {  	v62, v63, _ =	vpop (xrf1)  }
0x1a2: {  	v6 =	vperm.xlane v62, v1;
	v7 =	vperm.xlane v63, v1  }
0x1a3: {  	v3 =	vpsel p0, v4, v3;
	v2 =	vpsel p0, v5, v2  }
0x1a4: {  	vm13 =	veq.f32 v3, v6;
	vm14 =	vlt.s32 v2, v7  }
0x1a5: {  	vm15 =	vlt.f32 v3, v6;
	vm0 =	vmand vm13, vm14  }
0x1a6: {  	vm0 =	vmor vm15, vm0  }
0x1a7: {  	v4 =	vsel vm0, v6, v3;
	v5 =	vsel vm0, v7, v2  }
0x1a8: {  	(xrf1) =	vsort.ascd.msk.f32 $0xffff, v4, v5  }
0x1a9: {  	v3 =	vsel vm0, v3, v6;
	v2 =	vsel vm0, v2, v7  }
0x1aa: {  	(xrf1) =	vsort.ascd.msk.f32 $0xffff, v3, v2;
	_ =	sdelay $0x9  }
.Ltmp10:
0x1ab: {  	_ = 	snop;
	(pc) =	sbr.rel .LBB2_14-.Ltmp10, $3  }
0x1ac: {  	_ = 	snop  }
0x1ad: {  	v3, v2, _ =	vpop (xrf1);
	_ =	sdelay $0x1  }
0x1ae: {  	v4, v3, _ =	vpop (xrf1)  }
.LBB2_9:
.Ltmp11:
0x1af: {  	(pc) =	sbr.rel .LBB2_13-.Ltmp11, $2  }
0x1b0: {  	_ =	sdelay $0x2  }
0x1b1: {  	v6 =	vimm.f32 $+Inf;
	v5 =	vimm.s32 $0x7FFFFFFF  }
.LBB2_11:
.Ltmp12:
0x1b2: {  	(pc) =	sbr.rel .LBB2_13-.Ltmp12, $2  }
0x1b3: {  	_ =	sdelay $0x2  }
0x1b4: {  	v6 =	vimm.f32 $+Inf;
	v5 =	vimm.s32 $0x7FFFFFFF  }
.LBB2_16:
0x1b5: {  	_ =	sfence.sel $0x180000  }
0x1b6: {  	[bflag:$0x0] =	sbarrier.arrive $0xFFFF  }
0x1b7: {  	_ =	strace $0x90000047  }
0x1b8: {  	s0 =	stileid.u32;
	[bflag:$0x2] =	sbarrier.arrive $0xFFFF  }
0x1b9: {  	p0 =	sne.s32 s0, $0x0;
	s0 =	rddreg [dreg:$0x3]  }
0x1ba: {  	s0 =	sadd.s32 @!p0 $0x100000, s0  }
0x1bb: {  	[sflag:s0] =	ssyncadd.tile.s32 @!p0 $0x1;
	_ =	shalt  }
.Lfunc_end2:
_tile_overlayer_lowered:
.L_overlay_start_2:
0x1bc: {  	(tag) =	ssettag $0x2  }
0x1bd: {  	s0 =	rddreg [dreg:$0x0];
	s2 =	stileid.u32  }
0x1be: {  	s1 =	rddreg [dreg:$0x1];
	p0 =	sne.s32 s2, $0x0  }
0x1bf: {  	s3 =	rddreg [dreg:$0x2];
	[bflag:$0x3] =	sbarrier.arrive $0xFFFF;
	s2 =	simm.s32 @!p0 $0x1C01  }
0x1c0: {  	[timem:s3], [sflag:s2] =	dma.local @!p0 [hbm:s0], s1  }
0x1c1: {  	s0 =	simm.s32 @!p0 $0x1  }
0x1c2: {  	_ =	swait.ge @!p0 [sflag:s0], s1  }
0x1c3: {  	s1 =	ssub.s32 @!p0 $0x0, s1;
	[sflag:s0] =	ssyncset.done @!p0 $0x0  }
0x1c4: {  	[sflag:s0] =	ssyncadd.s32 @!p0 s1  }
0x1c5: {  	[bflag:$0x3] =	sbarrier.arrive $0xFFFF  }
0x1c6: {  	_ =	shalt  }

</sc_bundles>
